<compile_context>
chip_gen: v7x
topology: tpu7x:2x2x1
jax: 0.10.2.dev20260603
libtpu: 0.0.44.dev20260713+nightly
codegen_flags: <defaults>
</compile_context>

<pallas_src>
import functools

import jax
import jax.numpy as jnp
from jax import lax
from jax.experimental import pallas as pl
from jax.experimental.pallas import tpu as pltpu
from jax.experimental.pallas import tpu_sc as plsc

SEP = 102
L = 8192
D = 128
NC = 2
NS = 16
LANES = 16
NW = NC * NS
ROWS_W = L // NW
TOK_S = L // NS
DV = D // LANES
UNROLL = 4
HALF_R = ROWS_W // 2


def _sc_body(x_hbm, t_hbm, out_hbm, xv, stage, parts, allv, tv, rows, sem):
    cid = lax.axis_index("c")
    sid = lax.axis_index("s")
    wid = sid * NC + cid
    lane = lax.iota(jnp.int32, LANES)

    t_cp = pltpu.async_copy(t_hbm, tv, sem)

    pltpu.sync_copy(x_hbm.at[pl.ds(sid * TOK_S, TOK_S)], xv)
    tok0 = sid * TOK_S

    def scan_step(g, m):
        for u in range(UNROLL):
            j = g * UNROLL + u
            v = xv[pl.ds(j * LANES, LANES)]
            gi = tok0 + j * LANES + lane
            m = jnp.maximum(m, jnp.where(v == SEP, gi, -1))
        return m

    m = lax.fori_loop(0, TOK_S // (LANES * UNROLL), scan_step,
                      jnp.full((LANES,), -1, jnp.int32))

    stage[...] = m
    pltpu.sync_copy(stage, parts.at[pl.ds(sid * LANES, LANES)])
    plsc.subcore_barrier()
    pltpu.sync_copy(parts, allv)
    acc = allv[pl.ds(0, LANES)]
    for i in range(1, NS):
        acc = jnp.maximum(acc, allv[pl.ds(i * LANES, LANES)])
    for k in (1, 2, 4, 8):
        perm = jnp.take_along_axis(
            acc, lane ^ k, axis=0,
            mode=lax.GatherScatterMode.PROMISE_IN_BOUNDS)
        acc = jnp.maximum(acc, perm)
    input_len = jnp.where(acc < 0, L, acc)

    row0 = wid * ROWS_W
    t_cp.wait()
    t0 = [tv[0, pl.ds(j * LANES, LANES)] for j in range(DV)]
    t1 = [tv[1, pl.ds(j * LANES, LANES)] for j in range(DV)]

    def fill_group(g, c):
        r = g * UNROLL
        for u in range(UNROLL):
            cond = jnp.broadcast_to(row0 + r + u, (LANES,)) < input_len
            for j in range(DV):
                rows[r + u, pl.ds(j * LANES, LANES)] = jnp.where(
                    cond, t0[j], t1[j])
        return c

    QR = ROWS_W // 4
    cps = []
    for q in range(4):
        lax.fori_loop(q * QR // UNROLL, (q + 1) * QR // UNROLL, fill_group, 0)
        cps.append(pltpu.async_copy(rows.at[pl.ds(q * QR, QR)],
                                    out_hbm.at[pl.ds(row0 + q * QR, QR)],
                                    sem))
    for cp in cps:
        cp.wait()


def kernel(x, table):
    mesh = plsc.VectorSubcoreMesh(core_axis_name="c", subcore_axis_name="s",
                                  num_cores=NC, num_subcores=NS)
    run = functools.partial(
        pl.kernel,
        out_type=jax.ShapeDtypeStruct((L, D), jnp.float32),
        mesh=mesh,
        scratch_types=[
            pltpu.VMEM((TOK_S,), jnp.int32),
            pltpu.VMEM((LANES,), jnp.int32),
            pltpu.VMEM_SHARED((NS * LANES,), jnp.int32),
            pltpu.VMEM((NS * LANES,), jnp.int32),
            pltpu.VMEM((2, D), jnp.float32),
            pltpu.VMEM((ROWS_W, D), jnp.float32),
            pltpu.SemaphoreType.DMA,
        ],
    )(_sc_body)
    return run(x, table)

# --- scband reference (transcript-rebuilt; emitter-appended) ---
"""Pipeline reference for scband-segment-embedding-17669495455987 (READ-ONLY COPY).

The authoritative reference and input builder live on the scoring server;
editing this copy changes nothing except your own understanding.
"""

import jax, jax.numpy as jnp
import numpy as np

SEP_ID = 102
SEQ_LEN = 8192
EMBED_DIM = 128


def setup_inputs(seed: int = 0) -> dict:
    key = jax.random.key(seed)
    k1, k2 = jax.random.split(key)
    x = jax.random.randint(k1, (SEQ_LEN,), 0, 1000, dtype=jnp.int32)
    # guarantee a SEP token exists mid-sequence (BERT-style segment split)
    x = x.at[SEQ_LEN // 2].set(SEP_ID)
    # nn.Embedding(2, embedding_dimension) weight
    table = jax.random.normal(k2, (2, EMBED_DIM), dtype=jnp.float32)
    return {"x": x, "table": table}


def reference(x, table):
    # Original torch forward scans the whole sequence and keeps overwriting
    # input_length on every SEP hit -> effectively the LAST occurrence of SEP;
    # if no SEP is present, input_length = len(x).
    L = x.shape[0]
    matches = (x == SEP_ID)
    last_idx = L - 1 - jnp.argmax(matches[::-1])
    input_length = jnp.where(matches.any(), last_idx, L)
    # rows [:input_length] <- embeddings row 0, rows [input_length:] <- row 1
    seg_ids = (jnp.arange(L) >= input_length).astype(jnp.int32)
    out = jnp.take(table, seg_ids, axis=0)
    return out

if __name__ == "__main__":
    import jax
    _d = setup_inputs()
    print(jax.jit(kernel)(*tuple(_d.values())))

</pallas_src>

<mosaic_0001>
#map = affine_map<(d0, d1) -> (0)>
#map1 = affine_map<(d0, d1) -> (0, 0)>
module attributes {stable_mosaic.version = 14 : i64} {
  func.func @_sc_body(%arg0: i32, %arg1: i32, %arg2: memref<8192xi32, #tpu.memory_space<hbm>>, %arg3: memref<2x128xf32, #tpu.memory_space<hbm>>, %arg4: memref<8192x128xf32, #tpu.memory_space<hbm>>, %arg5: memref<512xi32, #tpu.memory_space<vmem>>, %arg6: memref<16xi32, #tpu.memory_space<vmem>>, %arg7: memref<256xi32, #tpu.memory_space<vmem_shared>>, %arg8: memref<256xi32, #tpu.memory_space<vmem>>, %arg9: memref<2x128xf32, #tpu.memory_space<vmem>>, %arg10: memref<256x128xf32, #tpu.memory_space<vmem>>, %arg11: memref<!tpu.dma_semaphore, #tpu.memory_space<semaphore_mem>>) attributes {dimension_semantics = [#tpu.dimension_semantics<core_parallel>, #tpu.dimension_semantics<subcore_parallel>], iteration_bounds = array<i64: 2, 16>, scalar_prefetch = 0 : i64, scratch_operands = 7 : i64, tpu.core_type = #tpu.core_type<sc_vector_subcore>, window_params = [{transform_indices = #map}, {transform_indices = #map1}, {transform_indices = #map1}]} {
    %mul3A = arith.constant 2 : i32
    %mul3A_0 = arith.muli %arg1, %mul3A : i32
    %add3A = arith.addi %mul3A_0, %arg0 : i32
    %iota3A = tpu.iota {dimensions = array<i32: 0>} : vector<16xi32>
    tpu.enqueue_dma source(%arg3 : memref<2x128xf32, #tpu.memory_space<hbm>>) target(%arg9 : memref<2x128xf32, #tpu.memory_space<vmem>>) target_semaphore(%arg11 : memref<!tpu.dma_semaphore, #tpu.memory_space<semaphore_mem>>)
    %mul3A_1 = arith.constant 512 : i32
    %mul3A_2 = arith.muli %arg1, %mul3A_1 : i32
    "tpu.region"() ({
      %run_scoped3A = tpu.sem_alloc : memref<!tpu.dma_semaphore, #tpu.memory_space<semaphore_mem>>
      %dma_start3A_325 = tpu.memref_slice %arg2[%mul3A_2] : memref<8192xi32, #tpu.memory_space<hbm>> -> memref<512xi32, #tpu.memory_space<hbm>>
      %dma_start3A_326 = tpu.memref_slice %arg2[%mul3A_2] : memref<8192xi32, #tpu.memory_space<hbm>> -> memref<512xi32, #tpu.memory_space<hbm>>
      tpu.enqueue_dma source(%dma_start3A_326 : memref<512xi32, #tpu.memory_space<hbm>>) target(%arg5 : memref<512xi32, #tpu.memory_space<vmem>>) target_semaphore(%run_scoped3A : memref<!tpu.dma_semaphore, #tpu.memory_space<semaphore_mem>>)
      %dma_wait3A_327 = tpu.memref_slice %arg2[%mul3A_2] : memref<8192xi32, #tpu.memory_space<hbm>> -> memref<512xi32, #tpu.memory_space<hbm>>
      %dma_wait3A_328 = tpu.memref_slice %arg2[%mul3A_2] : memref<8192xi32, #tpu.memory_space<hbm>> -> memref<512xi32, #tpu.memory_space<hbm>>
      tpu.wait_dma2 semaphore(%run_scoped3A : memref<!tpu.dma_semaphore, #tpu.memory_space<semaphore_mem>>) src(%dma_wait3A_328 : memref<512xi32, #tpu.memory_space<hbm>>) dst(%arg5 : memref<512xi32, #tpu.memory_space<vmem>>)
      tpu.yield
    }) : () -> ()
    %mul3A_3 = arith.constant 512 : i32
    %mul3A_4 = arith.muli %arg1, %mul3A_3 : i32
    %broadcast_in_dim3A = arith.constant -1 : i32
    %broadcast_in_dim3A_5 = vector.broadcast %broadcast_in_dim3A : i32 to vector<16xi32>
    %scan3A = arith.constant 0 : i32
    %scan3A_6 = arith.constant 8 : i32
    %scan3A_7 = arith.addi %scan3A, %scan3A_6 : i32
    %scan3A_8 = arith.constant 1 : i32
    %scan3A_9 = scf.for %scan3A_325 = %scan3A to %scan3A_7 step %scan3A_8 iter_args(%scan3A_326 = %broadcast_in_dim3A_5) -> (vector<16xi32>)  : i32 {
      %mul3A_327 = arith.constant 4 : i32
      %mul3A_328 = arith.muli %scan3A_325, %mul3A_327 : i32
      %add3A_329 = arith.constant 0 : i32
      %add3A_330 = arith.addi %mul3A_328, %add3A_329 : i32
      %mul3A_331 = arith.constant 16 : i32
      %mul3A_332 = arith.muli %add3A_330, %mul3A_331 : i32
      %get3A_333 = arith.index_cast %mul3A_332 : i32 to index
      %get3A_334 = tpu.vector_load %arg5[%get3A_333] {strides = array<i32>} : memref<512xi32, #tpu.memory_space<vmem>>, vector<16xi32>,
      %get3A_335 = vector.shape_cast %get3A_334 : vector<16xi32> to vector<16xi32>
      %mul3A_336 = arith.constant 16 : i32
      %mul3A_337 = arith.muli %add3A_330, %mul3A_336 : i32
      %add3A_338 = arith.addi %mul3A_4, %mul3A_337 : i32
      %add3A_339 = vector.broadcast %add3A_338 : i32 to vector<16xi32>
      %add3A_340 = arith.addi %add3A_339, %iota3A : vector<16xi32>
      %eq3A = arith.constant 102 : i32
      %eq3A_341 = vector.broadcast %eq3A : i32 to vector<16xi32>
      %eq3A_342 = arith.cmpi eq, %get3A_335, %eq3A_341 : vector<16xi32>
      %jit3A_343 = arith.constant -1 : i32
      %broadcast_in_dim3A_344 = vector.broadcast %jit3A_343 : i32 to vector<16xi32>
      %select_n3A_345 = arith.select %eq3A_342, %add3A_340, %broadcast_in_dim3A_344 : vector<16xi1>, vector<16xi32>
      %max3A_346 = arith.maxsi %scan3A_326, %select_n3A_345 : vector<16xi32>
      %mul3A_347 = arith.constant 4 : i32
      %mul3A_348 = arith.muli %scan3A_325, %mul3A_347 : i32
      %add3A_349 = arith.constant 1 : i32
      %add3A_350 = arith.addi %mul3A_348, %add3A_349 : i32
      %mul3A_351 = arith.constant 16 : i32
      %mul3A_352 = arith.muli %add3A_350, %mul3A_351 : i32
      %get3A_353 = arith.index_cast %mul3A_352 : i32 to index
      %get3A_354 = tpu.vector_load %arg5[%get3A_353] {strides = array<i32>} : memref<512xi32, #tpu.memory_space<vmem>>, vector<16xi32>,
      %get3A_355 = vector.shape_cast %get3A_354 : vector<16xi32> to vector<16xi32>
      %mul3A_356 = arith.constant 16 : i32
      %mul3A_357 = arith.muli %add3A_350, %mul3A_356 : i32
      %add3A_358 = arith.addi %mul3A_4, %mul3A_357 : i32
      %add3A_359 = vector.broadcast %add3A_358 : i32 to vector<16xi32>
      %add3A_360 = arith.addi %add3A_359, %iota3A : vector<16xi32>
      %eq3A_361 = arith.constant 102 : i32
      %eq3A_362 = vector.broadcast %eq3A_361 : i32 to vector<16xi32>
      %eq3A_363 = arith.cmpi eq, %get3A_355, %eq3A_362 : vector<16xi32>
      %jit3A_364 = arith.constant -1 : i32
      %broadcast_in_dim3A_365 = vector.broadcast %jit3A_364 : i32 to vector<16xi32>
      %select_n3A_366 = arith.select %eq3A_363, %add3A_360, %broadcast_in_dim3A_365 : vector<16xi1>, vector<16xi32>
      %max3A_367 = arith.maxsi %max3A_346, %select_n3A_366 : vector<16xi32>
      %mul3A_368 = arith.constant 4 : i32
      %mul3A_369 = arith.muli %scan3A_325, %mul3A_368 : i32
      %add3A_370 = arith.constant 2 : i32
      %add3A_371 = arith.addi %mul3A_369, %add3A_370 : i32
      %mul3A_372 = arith.constant 16 : i32
      %mul3A_373 = arith.muli %add3A_371, %mul3A_372 : i32
      %get3A_374 = arith.index_cast %mul3A_373 : i32 to index
      %get3A_375 = tpu.vector_load %arg5[%get3A_374] {strides = array<i32>} : memref<512xi32, #tpu.memory_space<vmem>>, vector<16xi32>,
      %get3A_376 = vector.shape_cast %get3A_375 : vector<16xi32> to vector<16xi32>
      %mul3A_377 = arith.constant 16 : i32
      %mul3A_378 = arith.muli %add3A_371, %mul3A_377 : i32
      %add3A_379 = arith.addi %mul3A_4, %mul3A_378 : i32
      %add3A_380 = vector.broadcast %add3A_379 : i32 to vector<16xi32>
      %add3A_381 = arith.addi %add3A_380, %iota3A : vector<16xi32>
      %eq3A_382 = arith.constant 102 : i32
      %eq3A_383 = vector.broadcast %eq3A_382 : i32 to vector<16xi32>
      %eq3A_384 = arith.cmpi eq, %get3A_376, %eq3A_383 : vector<16xi32>
      %jit3A_385 = arith.constant -1 : i32
      %broadcast_in_dim3A_386 = vector.broadcast %jit3A_385 : i32 to vector<16xi32>
      %select_n3A_387 = arith.select %eq3A_384, %add3A_381, %broadcast_in_dim3A_386 : vector<16xi1>, vector<16xi32>
      %max3A_388 = arith.maxsi %max3A_367, %select_n3A_387 : vector<16xi32>
      %mul3A_389 = arith.constant 4 : i32
      %mul3A_390 = arith.muli %scan3A_325, %mul3A_389 : i32
      %add3A_391 = arith.constant 3 : i32
      %add3A_392 = arith.addi %mul3A_390, %add3A_391 : i32
      %mul3A_393 = arith.constant 16 : i32
      %mul3A_394 = arith.muli %add3A_392, %mul3A_393 : i32
      %get3A_395 = arith.index_cast %mul3A_394 : i32 to index
      %get3A_396 = tpu.vector_load %arg5[%get3A_395] {strides = array<i32>} : memref<512xi32, #tpu.memory_space<vmem>>, vector<16xi32>,
      %get3A_397 = vector.shape_cast %get3A_396 : vector<16xi32> to vector<16xi32>
      %mul3A_398 = arith.constant 16 : i32
      %mul3A_399 = arith.muli %add3A_392, %mul3A_398 : i32
      %add3A_400 = arith.addi %mul3A_4, %mul3A_399 : i32
      %add3A_401 = vector.broadcast %add3A_400 : i32 to vector<16xi32>
      %add3A_402 = arith.addi %add3A_401, %iota3A : vector<16xi32>
      %eq3A_403 = arith.constant 102 : i32
      %eq3A_404 = vector.broadcast %eq3A_403 : i32 to vector<16xi32>
      %eq3A_405 = arith.cmpi eq, %get3A_397, %eq3A_404 : vector<16xi32>
      %jit3A_406 = arith.constant -1 : i32
      %broadcast_in_dim3A_407 = vector.broadcast %jit3A_406 : i32 to vector<16xi32>
      %select_n3A_408 = arith.select %eq3A_405, %add3A_402, %broadcast_in_dim3A_407 : vector<16xi1>, vector<16xi32>
      %max3A_409 = arith.maxsi %max3A_388, %select_n3A_408 : vector<16xi32>
      scf.yield %max3A_409 : vector<16xi32>
    }
    %scan3A_10 = arith.constant 8 : i32
    %swap3A = arith.constant 0 : index
    %swap3A_11 = tpu.vector_load %arg6[%swap3A] {strides = array<i32>} : memref<16xi32, #tpu.memory_space<vmem>>, vector<16xi32>,
    %swap3A_12 = vector.shape_cast %swap3A_11 : vector<16xi32> to vector<16xi32>
    %swap3A_13 = vector.shape_cast %scan3A_9 : vector<16xi32> to vector<16xi32>
    tpu.vector_store %arg6[%swap3A], %swap3A_13 {strides = array<i32>} : memref<16xi32, #tpu.memory_space<vmem>>, vector<16xi32>,
    %mul3A_14 = arith.constant 16 : i32
    %mul3A_15 = arith.muli %arg1, %mul3A_14 : i32
    "tpu.region"() ({
      %run_scoped3A = tpu.sem_alloc : memref<!tpu.dma_semaphore, #tpu.memory_space<semaphore_mem>>
      %dma_start3A_325 = tpu.memref_slice %arg7[%mul3A_15] : memref<256xi32, #tpu.memory_space<vmem_shared>> -> memref<16xi32, #tpu.memory_space<vmem_shared>>
      %dma_start3A_326 = tpu.memref_slice %arg7[%mul3A_15] : memref<256xi32, #tpu.memory_space<vmem_shared>> -> memref<16xi32, #tpu.memory_space<vmem_shared>>
      tpu.enqueue_dma source(%arg6 : memref<16xi32, #tpu.memory_space<vmem>>) target(%dma_start3A_326 : memref<16xi32, #tpu.memory_space<vmem_shared>>) target_semaphore(%run_scoped3A : memref<!tpu.dma_semaphore, #tpu.memory_space<semaphore_mem>>)
      %dma_wait3A_327 = tpu.memref_slice %arg7[%mul3A_15] : memref<256xi32, #tpu.memory_space<vmem_shared>> -> memref<16xi32, #tpu.memory_space<vmem_shared>>
      %dma_wait3A_328 = tpu.memref_slice %arg7[%mul3A_15] : memref<256xi32, #tpu.memory_space<vmem_shared>> -> memref<16xi32, #tpu.memory_space<vmem_shared>>
      tpu.wait_dma2 semaphore(%run_scoped3A : memref<!tpu.dma_semaphore, #tpu.memory_space<semaphore_mem>>) src(%arg6 : memref<16xi32, #tpu.memory_space<vmem>>) dst(%dma_wait3A_328 : memref<16xi32, #tpu.memory_space<vmem_shared>>)
      tpu.yield
    }) : () -> ()
    %barrier3A = arith.constant 0 : index
    tpu.barrier barrier_id(%barrier3A)
    "tpu.region"() ({
      %run_scoped3A = tpu.sem_alloc : memref<!tpu.dma_semaphore, #tpu.memory_space<semaphore_mem>>
      tpu.enqueue_dma source(%arg7 : memref<256xi32, #tpu.memory_space<vmem_shared>>) target(%arg8 : memref<256xi32, #tpu.memory_space<vmem>>) target_semaphore(%run_scoped3A : memref<!tpu.dma_semaphore, #tpu.memory_space<semaphore_mem>>)
      tpu.wait_dma2 semaphore(%run_scoped3A : memref<!tpu.dma_semaphore, #tpu.memory_space<semaphore_mem>>) src(%arg7 : memref<256xi32, #tpu.memory_space<vmem_shared>>) dst(%arg8 : memref<256xi32, #tpu.memory_space<vmem>>)
      tpu.yield
    }) : () -> ()
    %get3A = arith.constant 0 : index
    %get3A_16 = tpu.vector_load %arg8[%get3A] {strides = array<i32>} : memref<256xi32, #tpu.memory_space<vmem>>, vector<16xi32>,
    %get3A_17 = vector.shape_cast %get3A_16 : vector<16xi32> to vector<16xi32>
    %get3A_18 = arith.constant 16 : index
    %get3A_19 = tpu.vector_load %arg8[%get3A_18] {strides = array<i32>} : memref<256xi32, #tpu.memory_space<vmem>>, vector<16xi32>,
    %get3A_20 = vector.shape_cast %get3A_19 : vector<16xi32> to vector<16xi32>
    %max3A = arith.maxsi %get3A_17, %get3A_20 : vector<16xi32>
    %get3A_21 = arith.constant 32 : index
    %get3A_22 = tpu.vector_load %arg8[%get3A_21] {strides = array<i32>} : memref<256xi32, #tpu.memory_space<vmem>>, vector<16xi32>,
    %get3A_23 = vector.shape_cast %get3A_22 : vector<16xi32> to vector<16xi32>
    %max3A_24 = arith.maxsi %max3A, %get3A_23 : vector<16xi32>
    %get3A_25 = arith.constant 48 : index
    %get3A_26 = tpu.vector_load %arg8[%get3A_25] {strides = array<i32>} : memref<256xi32, #tpu.memory_space<vmem>>, vector<16xi32>,
    %get3A_27 = vector.shape_cast %get3A_26 : vector<16xi32> to vector<16xi32>
    %max3A_28 = arith.maxsi %max3A_24, %get3A_27 : vector<16xi32>
    %get3A_29 = arith.constant 64 : index
    %get3A_30 = tpu.vector_load %arg8[%get3A_29] {strides = array<i32>} : memref<256xi32, #tpu.memory_space<vmem>>, vector<16xi32>,
    %get3A_31 = vector.shape_cast %get3A_30 : vector<16xi32> to vector<16xi32>
    %max3A_32 = arith.maxsi %max3A_28, %get3A_31 : vector<16xi32>
    %get3A_33 = arith.constant 80 : index
    %get3A_34 = tpu.vector_load %arg8[%get3A_33] {strides = array<i32>} : memref<256xi32, #tpu.memory_space<vmem>>, vector<16xi32>,
    %get3A_35 = vector.shape_cast %get3A_34 : vector<16xi32> to vector<16xi32>
    %max3A_36 = arith.maxsi %max3A_32, %get3A_35 : vector<16xi32>
    %get3A_37 = arith.constant 96 : index
    %get3A_38 = tpu.vector_load %arg8[%get3A_37] {strides = array<i32>} : memref<256xi32, #tpu.memory_space<vmem>>, vector<16xi32>,
    %get3A_39 = vector.shape_cast %get3A_38 : vector<16xi32> to vector<16xi32>
    %max3A_40 = arith.maxsi %max3A_36, %get3A_39 : vector<16xi32>
    %get3A_41 = arith.constant 112 : index
    %get3A_42 = tpu.vector_load %arg8[%get3A_41] {strides = array<i32>} : memref<256xi32, #tpu.memory_space<vmem>>, vector<16xi32>,
    %get3A_43 = vector.shape_cast %get3A_42 : vector<16xi32> to vector<16xi32>
    %max3A_44 = arith.maxsi %max3A_40, %get3A_43 : vector<16xi32>
    %get3A_45 = arith.constant 128 : index
    %get3A_46 = tpu.vector_load %arg8[%get3A_45] {strides = array<i32>} : memref<256xi32, #tpu.memory_space<vmem>>, vector<16xi32>,
    %get3A_47 = vector.shape_cast %get3A_46 : vector<16xi32> to vector<16xi32>
    %max3A_48 = arith.maxsi %max3A_44, %get3A_47 : vector<16xi32>
    %get3A_49 = arith.constant 144 : index
    %get3A_50 = tpu.vector_load %arg8[%get3A_49] {strides = array<i32>} : memref<256xi32, #tpu.memory_space<vmem>>, vector<16xi32>,
    %get3A_51 = vector.shape_cast %get3A_50 : vector<16xi32> to vector<16xi32>
    %max3A_52 = arith.maxsi %max3A_48, %get3A_51 : vector<16xi32>
    %get3A_53 = arith.constant 160 : index
    %get3A_54 = tpu.vector_load %arg8[%get3A_53] {strides = array<i32>} : memref<256xi32, #tpu.memory_space<vmem>>, vector<16xi32>,
    %get3A_55 = vector.shape_cast %get3A_54 : vector<16xi32> to vector<16xi32>
    %max3A_56 = arith.maxsi %max3A_52, %get3A_55 : vector<16xi32>
    %get3A_57 = arith.constant 176 : index
    %get3A_58 = tpu.vector_load %arg8[%get3A_57] {strides = array<i32>} : memref<256xi32, #tpu.memory_space<vmem>>, vector<16xi32>,
    %get3A_59 = vector.shape_cast %get3A_58 : vector<16xi32> to vector<16xi32>
    %max3A_60 = arith.maxsi %max3A_56, %get3A_59 : vector<16xi32>
    %get3A_61 = arith.constant 192 : index
    %get3A_62 = tpu.vector_load %arg8[%get3A_61] {strides = array<i32>} : memref<256xi32, #tpu.memory_space<vmem>>, vector<16xi32>,
    %get3A_63 = vector.shape_cast %get3A_62 : vector<16xi32> to vector<16xi32>
    %max3A_64 = arith.maxsi %max3A_60, %get3A_63 : vector<16xi32>
    %get3A_65 = arith.constant 208 : index
    %get3A_66 = tpu.vector_load %arg8[%get3A_65] {strides = array<i32>} : memref<256xi32, #tpu.memory_space<vmem>>, vector<16xi32>,
    %get3A_67 = vector.shape_cast %get3A_66 : vector<16xi32> to vector<16xi32>
    %max3A_68 = arith.maxsi %max3A_64, %get3A_67 : vector<16xi32>
    %get3A_69 = arith.constant 224 : index
    %get3A_70 = tpu.vector_load %arg8[%get3A_69] {strides = array<i32>} : memref<256xi32, #tpu.memory_space<vmem>>, vector<16xi32>,
    %get3A_71 = vector.shape_cast %get3A_70 : vector<16xi32> to vector<16xi32>
    %max3A_72 = arith.maxsi %max3A_68, %get3A_71 : vector<16xi32>
    %get3A_73 = arith.constant 240 : index
    %get3A_74 = tpu.vector_load %arg8[%get3A_73] {strides = array<i32>} : memref<256xi32, #tpu.memory_space<vmem>>, vector<16xi32>,
    %get3A_75 = vector.shape_cast %get3A_74 : vector<16xi32> to vector<16xi32>
    %max3A_76 = arith.maxsi %max3A_72, %get3A_75 : vector<16xi32>
    %xor3A = arith.constant 1 : i32
    %xor3A_77 = vector.broadcast %xor3A : i32 to vector<16xi32>
    %xor3A_78 = arith.xori %iota3A, %xor3A_77 : vector<16xi32>
    %lt3A = arith.constant 0 : i32
    %lt3A_79 = vector.broadcast %lt3A : i32 to vector<16xi32>
    %lt3A_80 = arith.cmpi slt, %xor3A_78, %lt3A_79 : vector<16xi32>
    %add3A_81 = arith.constant 16 : i32
    %add3A_82 = vector.broadcast %add3A_81 : i32 to vector<16xi32>
    %add3A_83 = arith.addi %xor3A_78, %add3A_82 : vector<16xi32>
    %select_n3A = arith.select %lt3A_80, %add3A_83, %xor3A_78 : vector<16xi1>, vector<16xi32>
    %reshape3A = vector.shape_cast %select_n3A : vector<16xi32> to vector<16x1xi32>
    %gather3A = vector.shape_cast %reshape3A : vector<16x1xi32> to vector<16xi32>
    %gather3A_84 = tpu.dynamic_gather %max3A_76[%gather3A] in [0] : vector<16xi32>, vector<16xi32> -> vector<16xi32>
    %max3A_85 = arith.maxsi %max3A_76, %gather3A_84 : vector<16xi32>
    %xor3A_86 = arith.constant 2 : i32
    %xor3A_87 = vector.broadcast %xor3A_86 : i32 to vector<16xi32>
    %xor3A_88 = arith.xori %iota3A, %xor3A_87 : vector<16xi32>
    %lt3A_89 = arith.constant 0 : i32
    %lt3A_90 = vector.broadcast %lt3A_89 : i32 to vector<16xi32>
    %lt3A_91 = arith.cmpi slt, %xor3A_88, %lt3A_90 : vector<16xi32>
    %add3A_92 = arith.constant 16 : i32
    %add3A_93 = vector.broadcast %add3A_92 : i32 to vector<16xi32>
    %add3A_94 = arith.addi %xor3A_88, %add3A_93 : vector<16xi32>
    %select_n3A_95 = arith.select %lt3A_91, %add3A_94, %xor3A_88 : vector<16xi1>, vector<16xi32>
    %reshape3A_96 = vector.shape_cast %select_n3A_95 : vector<16xi32> to vector<16x1xi32>
    %gather3A_97 = vector.shape_cast %reshape3A_96 : vector<16x1xi32> to vector<16xi32>
    %gather3A_98 = tpu.dynamic_gather %max3A_85[%gather3A_97] in [0] : vector<16xi32>, vector<16xi32> -> vector<16xi32>
    %max3A_99 = arith.maxsi %max3A_85, %gather3A_98 : vector<16xi32>
    %xor3A_100 = arith.constant 4 : i32
    %xor3A_101 = vector.broadcast %xor3A_100 : i32 to vector<16xi32>
    %xor3A_102 = arith.xori %iota3A, %xor3A_101 : vector<16xi32>
    %lt3A_103 = arith.constant 0 : i32
    %lt3A_104 = vector.broadcast %lt3A_103 : i32 to vector<16xi32>
    %lt3A_105 = arith.cmpi slt, %xor3A_102, %lt3A_104 : vector<16xi32>
    %add3A_106 = arith.constant 16 : i32
    %add3A_107 = vector.broadcast %add3A_106 : i32 to vector<16xi32>
    %add3A_108 = arith.addi %xor3A_102, %add3A_107 : vector<16xi32>
    %select_n3A_109 = arith.select %lt3A_105, %add3A_108, %xor3A_102 : vector<16xi1>, vector<16xi32>
    %reshape3A_110 = vector.shape_cast %select_n3A_109 : vector<16xi32> to vector<16x1xi32>
    %gather3A_111 = vector.shape_cast %reshape3A_110 : vector<16x1xi32> to vector<16xi32>
    %gather3A_112 = tpu.dynamic_gather %max3A_99[%gather3A_111] in [0] : vector<16xi32>, vector<16xi32> -> vector<16xi32>
    %max3A_113 = arith.maxsi %max3A_99, %gather3A_112 : vector<16xi32>
    %xor3A_114 = arith.constant 8 : i32
    %xor3A_115 = vector.broadcast %xor3A_114 : i32 to vector<16xi32>
    %xor3A_116 = arith.xori %iota3A, %xor3A_115 : vector<16xi32>
    %lt3A_117 = arith.constant 0 : i32
    %lt3A_118 = vector.broadcast %lt3A_117 : i32 to vector<16xi32>
    %lt3A_119 = arith.cmpi slt, %xor3A_116, %lt3A_118 : vector<16xi32>
    %add3A_120 = arith.constant 16 : i32
    %add3A_121 = vector.broadcast %add3A_120 : i32 to vector<16xi32>
    %add3A_122 = arith.addi %xor3A_116, %add3A_121 : vector<16xi32>
    %select_n3A_123 = arith.select %lt3A_119, %add3A_122, %xor3A_116 : vector<16xi1>, vector<16xi32>
    %reshape3A_124 = vector.shape_cast %select_n3A_123 : vector<16xi32> to vector<16x1xi32>
    %gather3A_125 = vector.shape_cast %reshape3A_124 : vector<16x1xi32> to vector<16xi32>
    %gather3A_126 = tpu.dynamic_gather %max3A_113[%gather3A_125] in [0] : vector<16xi32>, vector<16xi32> -> vector<16xi32>
    %max3A_127 = arith.maxsi %max3A_113, %gather3A_126 : vector<16xi32>
    %lt3A_128 = arith.constant 0 : i32
    %lt3A_129 = vector.broadcast %lt3A_128 : i32 to vector<16xi32>
    %lt3A_130 = arith.cmpi slt, %max3A_127, %lt3A_129 : vector<16xi32>
    %jit3A = arith.constant 8192 : i32
    %broadcast_in_dim3A_131 = vector.broadcast %jit3A : i32 to vector<16xi32>
    %select_n3A_132 = arith.select %lt3A_130, %broadcast_in_dim3A_131, %max3A_127 : vector<16xi1>, vector<16xi32>
    %mul3A_133 = arith.constant 256 : i32
    %mul3A_134 = arith.muli %add3A, %mul3A_133 : i32
    tpu.wait_dma2 semaphore(%arg11 : memref<!tpu.dma_semaphore, #tpu.memory_space<semaphore_mem>>) src(%arg3 : memref<2x128xf32, #tpu.memory_space<hbm>>) dst(%arg9 : memref<2x128xf32, #tpu.memory_space<vmem>>)
    %get3A_135 = arith.constant 0 : i32
    %get3A_136 = arith.index_cast %get3A_135 : i32 to index
    %get3A_137 = arith.constant 0 : index
    %get3A_138 = tpu.vector_load %arg9[%get3A_136, %get3A_137] {strides = array<i32>} : memref<2x128xf32, #tpu.memory_space<vmem>>, vector<1x16xf32>,
    %get3A_139 = vector.shape_cast %get3A_138 : vector<1x16xf32> to vector<16xf32>
    %get3A_140 = arith.constant 0 : i32
    %get3A_141 = arith.index_cast %get3A_140 : i32 to index
    %get3A_142 = arith.constant 16 : index
    %get3A_143 = tpu.vector_load %arg9[%get3A_141, %get3A_142] {strides = array<i32>} : memref<2x128xf32, #tpu.memory_space<vmem>>, vector<1x16xf32>,
    %get3A_144 = vector.shape_cast %get3A_143 : vector<1x16xf32> to vector<16xf32>
    %get3A_145 = arith.constant 0 : i32
    %get3A_146 = arith.index_cast %get3A_145 : i32 to index
    %get3A_147 = arith.constant 32 : index
    %get3A_148 = tpu.vector_load %arg9[%get3A_146, %get3A_147] {strides = array<i32>} : memref<2x128xf32, #tpu.memory_space<vmem>>, vector<1x16xf32>,
    %get3A_149 = vector.shape_cast %get3A_148 : vector<1x16xf32> to vector<16xf32>
    %get3A_150 = arith.constant 0 : i32
    %get3A_151 = arith.index_cast %get3A_150 : i32 to index
    %get3A_152 = arith.constant 48 : index
    %get3A_153 = tpu.vector_load %arg9[%get3A_151, %get3A_152] {strides = array<i32>} : memref<2x128xf32, #tpu.memory_space<vmem>>, vector<1x16xf32>,
    %get3A_154 = vector.shape_cast %get3A_153 : vector<1x16xf32> to vector<16xf32>
    %get3A_155 = arith.constant 0 : i32
    %get3A_156 = arith.index_cast %get3A_155 : i32 to index
    %get3A_157 = arith.constant 64 : index
    %get3A_158 = tpu.vector_load %arg9[%get3A_156, %get3A_157] {strides = array<i32>} : memref<2x128xf32, #tpu.memory_space<vmem>>, vector<1x16xf32>,
    %get3A_159 = vector.shape_cast %get3A_158 : vector<1x16xf32> to vector<16xf32>
    %get3A_160 = arith.constant 0 : i32
    %get3A_161 = arith.index_cast %get3A_160 : i32 to index
    %get3A_162 = arith.constant 80 : index
    %get3A_163 = tpu.vector_load %arg9[%get3A_161, %get3A_162] {strides = array<i32>} : memref<2x128xf32, #tpu.memory_space<vmem>>, vector<1x16xf32>,
    %get3A_164 = vector.shape_cast %get3A_163 : vector<1x16xf32> to vector<16xf32>
    %get3A_165 = arith.constant 0 : i32
    %get3A_166 = arith.index_cast %get3A_165 : i32 to index
    %get3A_167 = arith.constant 96 : index
    %get3A_168 = tpu.vector_load %arg9[%get3A_166, %get3A_167] {strides = array<i32>} : memref<2x128xf32, #tpu.memory_space<vmem>>, vector<1x16xf32>,
    %get3A_169 = vector.shape_cast %get3A_168 : vector<1x16xf32> to vector<16xf32>
    %get3A_170 = arith.constant 0 : i32
    %get3A_171 = arith.index_cast %get3A_170 : i32 to index
    %get3A_172 = arith.constant 112 : index
    %get3A_173 = tpu.vector_load %arg9[%get3A_171, %get3A_172] {strides = array<i32>} : memref<2x128xf32, #tpu.memory_space<vmem>>, vector<1x16xf32>,
    %get3A_174 = vector.shape_cast %get3A_173 : vector<1x16xf32> to vector<16xf32>
    %get3A_175 = arith.constant 1 : i32
    %get3A_176 = arith.index_cast %get3A_175 : i32 to index
    %get3A_177 = arith.constant 0 : index
    %get3A_178 = tpu.vector_load %arg9[%get3A_176, %get3A_177] {strides = array<i32>} : memref<2x128xf32, #tpu.memory_space<vmem>>, vector<1x16xf32>,
    %get3A_179 = vector.shape_cast %get3A_178 : vector<1x16xf32> to vector<16xf32>
    %get3A_180 = arith.constant 1 : i32
    %get3A_181 = arith.index_cast %get3A_180 : i32 to index
    %get3A_182 = arith.constant 16 : index
    %get3A_183 = tpu.vector_load %arg9[%get3A_181, %get3A_182] {strides = array<i32>} : memref<2x128xf32, #tpu.memory_space<vmem>>, vector<1x16xf32>,
    %get3A_184 = vector.shape_cast %get3A_183 : vector<1x16xf32> to vector<16xf32>
    %get3A_185 = arith.constant 1 : i32
    %get3A_186 = arith.index_cast %get3A_185 : i32 to index
    %get3A_187 = arith.constant 32 : index
    %get3A_188 = tpu.vector_load %arg9[%get3A_186, %get3A_187] {strides = array<i32>} : memref<2x128xf32, #tpu.memory_space<vmem>>, vector<1x16xf32>,
    %get3A_189 = vector.shape_cast %get3A_188 : vector<1x16xf32> to vector<16xf32>
    %get3A_190 = arith.constant 1 : i32
    %get3A_191 = arith.index_cast %get3A_190 : i32 to index
    %get3A_192 = arith.constant 48 : index
    %get3A_193 = tpu.vector_load %arg9[%get3A_191, %get3A_192] {strides = array<i32>} : memref<2x128xf32, #tpu.memory_space<vmem>>, vector<1x16xf32>,
    %get3A_194 = vector.shape_cast %get3A_193 : vector<1x16xf32> to vector<16xf32>
    %get3A_195 = arith.constant 1 : i32
    %get3A_196 = arith.index_cast %get3A_195 : i32 to index
    %get3A_197 = arith.constant 64 : index
    %get3A_198 = tpu.vector_load %arg9[%get3A_196, %get3A_197] {strides = array<i32>} : memref<2x128xf32, #tpu.memory_space<vmem>>, vector<1x16xf32>,
    %get3A_199 = vector.shape_cast %get3A_198 : vector<1x16xf32> to vector<16xf32>
    %get3A_200 = arith.constant 1 : i32
    %get3A_201 = arith.index_cast %get3A_200 : i32 to index
    %get3A_202 = arith.constant 80 : index
    %get3A_203 = tpu.vector_load %arg9[%get3A_201, %get3A_202] {strides = array<i32>} : memref<2x128xf32, #tpu.memory_space<vmem>>, vector<1x16xf32>,
    %get3A_204 = vector.shape_cast %get3A_203 : vector<1x16xf32> to vector<16xf32>
    %get3A_205 = arith.constant 1 : i32
    %get3A_206 = arith.index_cast %get3A_205 : i32 to index
    %get3A_207 = arith.constant 96 : index
    %get3A_208 = tpu.vector_load %arg9[%get3A_206, %get3A_207] {strides = array<i32>} : memref<2x128xf32, #tpu.memory_space<vmem>>, vector<1x16xf32>,
    %get3A_209 = vector.shape_cast %get3A_208 : vector<1x16xf32> to vector<16xf32>
    %get3A_210 = arith.constant 1 : i32
    %get3A_211 = arith.index_cast %get3A_210 : i32 to index
    %get3A_212 = arith.constant 112 : index
    %get3A_213 = tpu.vector_load %arg9[%get3A_211, %get3A_212] {strides = array<i32>} : memref<2x128xf32, #tpu.memory_space<vmem>>, vector<1x16xf32>,
    %get3A_214 = vector.shape_cast %get3A_213 : vector<1x16xf32> to vector<16xf32>
    %scan3A_215 = arith.constant 0 : i32
    %scan3A_216 = arith.constant 0 : i32
    %scan3A_217 = arith.constant 16 : i32
    %scan3A_218 = arith.addi %scan3A_216, %scan3A_217 : i32
    %scan3A_219 = arith.constant 1 : i32
    scf.for %scan3A_325 = %scan3A_216 to %scan3A_218 step %scan3A_219  : i32 {
      %mul3A_326 = arith.constant 4 : i32
      %mul3A_327 = arith.muli %scan3A_325, %mul3A_326 : i32
      %add3A_328 = arith.addi %mul3A_134, %mul3A_327 : i32
      %add3A_329 = arith.constant 0 : i32
      %add3A_330 = arith.addi %add3A_328, %add3A_329 : i32
      %broadcast_in_dim3A_331 = vector.broadcast %add3A_330 : i32 to vector<16xi32>
      %lt3A_332 = arith.cmpi slt, %broadcast_in_dim3A_331, %select_n3A_132 : vector<16xi32>
      %select_n3A_333 = arith.select %lt3A_332, %get3A_139, %get3A_179 : vector<16xi1>, vector<16xf32>
      %add3A_334 = arith.constant 0 : i32
      %add3A_335 = arith.addi %mul3A_327, %add3A_334 : i32
      %swap3A_336 = arith.index_cast %add3A_335 : i32 to index
      %swap3A_337 = arith.constant 0 : index
      %swap3A_338 = tpu.vector_load %arg10[%swap3A_336, %swap3A_337] {strides = array<i32>} : memref<256x128xf32, #tpu.memory_space<vmem>>, vector<1x16xf32>,
      %swap3A_339 = vector.shape_cast %swap3A_338 : vector<1x16xf32> to vector<16xf32>
      %swap3A_340 = vector.shape_cast %select_n3A_333 : vector<16xf32> to vector<1x16xf32>
      tpu.vector_store %arg10[%swap3A_336, %swap3A_337], %swap3A_340 {strides = array<i32>} : memref<256x128xf32, #tpu.memory_space<vmem>>, vector<1x16xf32>,
      %select_n3A_341 = arith.select %lt3A_332, %get3A_144, %get3A_184 : vector<16xi1>, vector<16xf32>
      %add3A_342 = arith.constant 0 : i32
      %add3A_343 = arith.addi %mul3A_327, %add3A_342 : i32
      %swap3A_344 = arith.index_cast %add3A_343 : i32 to index
      %swap3A_345 = arith.constant 16 : index
      %swap3A_346 = tpu.vector_load %arg10[%swap3A_344, %swap3A_345] {strides = array<i32>} : memref<256x128xf32, #tpu.memory_space<vmem>>, vector<1x16xf32>,
      %swap3A_347 = vector.shape_cast %swap3A_346 : vector<1x16xf32> to vector<16xf32>
      %swap3A_348 = vector.shape_cast %select_n3A_341 : vector<16xf32> to vector<1x16xf32>
      tpu.vector_store %arg10[%swap3A_344, %swap3A_345], %swap3A_348 {strides = array<i32>} : memref<256x128xf32, #tpu.memory_space<vmem>>, vector<1x16xf32>,
      %select_n3A_349 = arith.select %lt3A_332, %get3A_149, %get3A_189 : vector<16xi1>, vector<16xf32>
      %add3A_350 = arith.constant 0 : i32
      %add3A_351 = arith.addi %mul3A_327, %add3A_350 : i32
      %swap3A_352 = arith.index_cast %add3A_351 : i32 to index
      %swap3A_353 = arith.constant 32 : index
      %swap3A_354 = tpu.vector_load %arg10[%swap3A_352, %swap3A_353] {strides = array<i32>} : memref<256x128xf32, #tpu.memory_space<vmem>>, vector<1x16xf32>,
      %swap3A_355 = vector.shape_cast %swap3A_354 : vector<1x16xf32> to vector<16xf32>
      %swap3A_356 = vector.shape_cast %select_n3A_349 : vector<16xf32> to vector<1x16xf32>
      tpu.vector_store %arg10[%swap3A_352, %swap3A_353], %swap3A_356 {strides = array<i32>} : memref<256x128xf32, #tpu.memory_space<vmem>>, vector<1x16xf32>,
      %select_n3A_357 = arith.select %lt3A_332, %get3A_154, %get3A_194 : vector<16xi1>, vector<16xf32>
      %add3A_358 = arith.constant 0 : i32
      %add3A_359 = arith.addi %mul3A_327, %add3A_358 : i32
      %swap3A_360 = arith.index_cast %add3A_359 : i32 to index
      %swap3A_361 = arith.constant 48 : index
      %swap3A_362 = tpu.vector_load %arg10[%swap3A_360, %swap3A_361] {strides = array<i32>} : memref<256x128xf32, #tpu.memory_space<vmem>>, vector<1x16xf32>,
      %swap3A_363 = vector.shape_cast %swap3A_362 : vector<1x16xf32> to vector<16xf32>
      %swap3A_364 = vector.shape_cast %select_n3A_357 : vector<16xf32> to vector<1x16xf32>
      tpu.vector_store %arg10[%swap3A_360, %swap3A_361], %swap3A_364 {strides = array<i32>} : memref<256x128xf32, #tpu.memory_space<vmem>>, vector<1x16xf32>,
      %select_n3A_365 = arith.select %lt3A_332, %get3A_159, %get3A_199 : vector<16xi1>, vector<16xf32>
      %add3A_366 = arith.constant 0 : i32
      %add3A_367 = arith.addi %mul3A_327, %add3A_366 : i32
      %swap3A_368 = arith.index_cast %add3A_367 : i32 to index
      %swap3A_369 = arith.constant 64 : index
      %swap3A_370 = tpu.vector_load %arg10[%swap3A_368, %swap3A_369] {strides = array<i32>} : memref<256x128xf32, #tpu.memory_space<vmem>>, vector<1x16xf32>,
      %swap3A_371 = vector.shape_cast %swap3A_370 : vector<1x16xf32> to vector<16xf32>
      %swap3A_372 = vector.shape_cast %select_n3A_365 : vector<16xf32> to vector<1x16xf32>
      tpu.vector_store %arg10[%swap3A_368, %swap3A_369], %swap3A_372 {strides = array<i32>} : memref<256x128xf32, #tpu.memory_space<vmem>>, vector<1x16xf32>,
      %select_n3A_373 = arith.select %lt3A_332, %get3A_164, %get3A_204 : vector<16xi1>, vector<16xf32>
      %add3A_374 = arith.constant 0 : i32
      %add3A_375 = arith.addi %mul3A_327, %add3A_374 : i32
      %swap3A_376 = arith.index_cast %add3A_375 : i32 to index
      %swap3A_377 = arith.constant 80 : index
      %swap3A_378 = tpu.vector_load %arg10[%swap3A_376, %swap3A_377] {strides = array<i32>} : memref<256x128xf32, #tpu.memory_space<vmem>>, vector<1x16xf32>,
      %swap3A_379 = vector.shape_cast %swap3A_378 : vector<1x16xf32> to vector<16xf32>
      %swap3A_380 = vector.shape_cast %select_n3A_373 : vector<16xf32> to vector<1x16xf32>
      tpu.vector_store %arg10[%swap3A_376, %swap3A_377], %swap3A_380 {strides = array<i32>} : memref<256x128xf32, #tpu.memory_space<vmem>>, vector<1x16xf32>,
      %select_n3A_381 = arith.select %lt3A_332, %get3A_169, %get3A_209 : vector<16xi1>, vector<16xf32>
      %add3A_382 = arith.constant 0 : i32
      %add3A_383 = arith.addi %mul3A_327, %add3A_382 : i32
      %swap3A_384 = arith.index_cast %add3A_383 : i32 to index
      %swap3A_385 = arith.constant 96 : index
      %swap3A_386 = tpu.vector_load %arg10[%swap3A_384, %swap3A_385] {strides = array<i32>} : memref<256x128xf32, #tpu.memory_space<vmem>>, vector<1x16xf32>,
      %swap3A_387 = vector.shape_cast %swap3A_386 : vector<1x16xf32> to vector<16xf32>
      %swap3A_388 = vector.shape_cast %select_n3A_381 : vector<16xf32> to vector<1x16xf32>
      tpu.vector_store %arg10[%swap3A_384, %swap3A_385], %swap3A_388 {strides = array<i32>} : memref<256x128xf32, #tpu.memory_space<vmem>>, vector<1x16xf32>,
      %select_n3A_389 = arith.select %lt3A_332, %get3A_174, %get3A_214 : vector<16xi1>, vector<16xf32>
      %add3A_390 = arith.constant 0 : i32
      %add3A_391 = arith.addi %mul3A_327, %add3A_390 : i32
      %swap3A_392 = arith.index_cast %add3A_391 : i32 to index
      %swap3A_393 = arith.constant 112 : index
      %swap3A_394 = tpu.vector_load %arg10[%swap3A_392, %swap3A_393] {strides = array<i32>} : memref<256x128xf32, #tpu.memory_space<vmem>>, vector<1x16xf32>,
      %swap3A_395 = vector.shape_cast %swap3A_394 : vector<1x16xf32> to vector<16xf32>
      %swap3A_396 = vector.shape_cast %select_n3A_389 : vector<16xf32> to vector<1x16xf32>
      tpu.vector_store %arg10[%swap3A_392, %swap3A_393], %swap3A_396 {strides = array<i32>} : memref<256x128xf32, #tpu.memory_space<vmem>>, vector<1x16xf32>,
      %add3A_397 = arith.addi %mul3A_134, %mul3A_327 : i32
      %add3A_398 = arith.constant 1 : i32
      %add3A_399 = arith.addi %add3A_397, %add3A_398 : i32
      %broadcast_in_dim3A_400 = vector.broadcast %add3A_399 : i32 to vector<16xi32>
      %lt3A_401 = arith.cmpi slt, %broadcast_in_dim3A_400, %select_n3A_132 : vector<16xi32>
      %select_n3A_402 = arith.select %lt3A_401, %get3A_139, %get3A_179 : vector<16xi1>, vector<16xf32>
      %add3A_403 = arith.constant 1 : i32
      %add3A_404 = arith.addi %mul3A_327, %add3A_403 : i32
      %swap3A_405 = arith.index_cast %add3A_404 : i32 to index
      %swap3A_406 = arith.constant 0 : index
      %swap3A_407 = tpu.vector_load %arg10[%swap3A_405, %swap3A_406] {strides = array<i32>} : memref<256x128xf32, #tpu.memory_space<vmem>>, vector<1x16xf32>,
      %swap3A_408 = vector.shape_cast %swap3A_407 : vector<1x16xf32> to vector<16xf32>
      %swap3A_409 = vector.shape_cast %select_n3A_402 : vector<16xf32> to vector<1x16xf32>
      tpu.vector_store %arg10[%swap3A_405, %swap3A_406], %swap3A_409 {strides = array<i32>} : memref<256x128xf32, #tpu.memory_space<vmem>>, vector<1x16xf32>,
      %select_n3A_410 = arith.select %lt3A_401, %get3A_144, %get3A_184 : vector<16xi1>, vector<16xf32>
      %add3A_411 = arith.constant 1 : i32
      %add3A_412 = arith.addi %mul3A_327, %add3A_411 : i32
      %swap3A_413 = arith.index_cast %add3A_412 : i32 to index
      %swap3A_414 = arith.constant 16 : index
      %swap3A_415 = tpu.vector_load %arg10[%swap3A_413, %swap3A_414] {strides = array<i32>} : memref<256x128xf32, #tpu.memory_space<vmem>>, vector<1x16xf32>,
      %swap3A_416 = vector.shape_cast %swap3A_415 : vector<1x16xf32> to vector<16xf32>
      %swap3A_417 = vector.shape_cast %select_n3A_410 : vector<16xf32> to vector<1x16xf32>
      tpu.vector_store %arg10[%swap3A_413, %swap3A_414], %swap3A_417 {strides = array<i32>} : memref<256x128xf32, #tpu.memory_space<vmem>>, vector<1x16xf32>,
      %select_n3A_418 = arith.select %lt3A_401, %get3A_149, %get3A_189 : vector<16xi1>, vector<16xf32>
      %add3A_419 = arith.constant 1 : i32
      %add3A_420 = arith.addi %mul3A_327, %add3A_419 : i32
      %swap3A_421 = arith.index_cast %add3A_420 : i32 to index
      %swap3A_422 = arith.constant 32 : index
      %swap3A_423 = tpu.vector_load %arg10[%swap3A_421, %swap3A_422] {strides = array<i32>} : memref<256x128xf32, #tpu.memory_space<vmem>>, vector<1x16xf32>,
      %swap3A_424 = vector.shape_cast %swap3A_423 : vector<1x16xf32> to vector<16xf32>
      %swap3A_425 = vector.shape_cast %select_n3A_418 : vector<16xf32> to vector<1x16xf32>
      tpu.vector_store %arg10[%swap3A_421, %swap3A_422], %swap3A_425 {strides = array<i32>} : memref<256x128xf32, #tpu.memory_space<vmem>>, vector<1x16xf32>,
      %select_n3A_426 = arith.select %lt3A_401, %get3A_154, %get3A_194 : vector<16xi1>, vector<16xf32>
      %add3A_427 = arith.constant 1 : i32
      %add3A_428 = arith.addi %mul3A_327, %add3A_427 : i32
      %swap3A_429 = arith.index_cast %add3A_428 : i32 to index
      %swap3A_430 = arith.constant 48 : index
      %swap3A_431 = tpu.vector_load %arg10[%swap3A_429, %swap3A_430] {strides = array<i32>} : memref<256x128xf32, #tpu.memory_space<vmem>>, vector<1x16xf32>,
      %swap3A_432 = vector.shape_cast %swap3A_431 : vector<1x16xf32> to vector<16xf32>
      %swap3A_433 = vector.shape_cast %select_n3A_426 : vector<16xf32> to vector<1x16xf32>
      tpu.vector_store %arg10[%swap3A_429, %swap3A_430], %swap3A_433 {strides = array<i32>} : memref<256x128xf32, #tpu.memory_space<vmem>>, vector<1x16xf32>,
      %select_n3A_434 = arith.select %lt3A_401, %get3A_159, %get3A_199 : vector<16xi1>, vector<16xf32>
      %add3A_435 = arith.constant 1 : i32
      %add3A_436 = arith.addi %mul3A_327, %add3A_435 : i32
      %swap3A_437 = arith.index_cast %add3A_436 : i32 to index
      %swap3A_438 = arith.constant 64 : index
      %swap3A_439 = tpu.vector_load %arg10[%swap3A_437, %swap3A_438] {strides = array<i32>} : memref<256x128xf32, #tpu.memory_space<vmem>>, vector<1x16xf32>,
      %swap3A_440 = vector.shape_cast %swap3A_439 : vector<1x16xf32> to vector<16xf32>
      %swap3A_441 = vector.shape_cast %select_n3A_434 : vector<16xf32> to vector<1x16xf32>
      tpu.vector_store %arg10[%swap3A_437, %swap3A_438], %swap3A_441 {strides = array<i32>} : memref<256x128xf32, #tpu.memory_space<vmem>>, vector<1x16xf32>,
      %select_n3A_442 = arith.select %lt3A_401, %get3A_164, %get3A_204 : vector<16xi1>, vector<16xf32>
      %add3A_443 = arith.constant 1 : i32
      %add3A_444 = arith.addi %mul3A_327, %add3A_443 : i32
      %swap3A_445 = arith.index_cast %add3A_444 : i32 to index
      %swap3A_446 = arith.constant 80 : index
      %swap3A_447 = tpu.vector_load %arg10[%swap3A_445, %swap3A_446] {strides = array<i32>} : memref<256x128xf32, #tpu.memory_space<vmem>>, vector<1x16xf32>,
      %swap3A_448 = vector.shape_cast %swap3A_447 : vector<1x16xf32> to vector<16xf32>
      %swap3A_449 = vector.shape_cast %select_n3A_442 : vector<16xf32> to vector<1x16xf32>
      tpu.vector_store %arg10[%swap3A_445, %swap3A_446], %swap3A_449 {strides = array<i32>} : memref<256x128xf32, #tpu.memory_space<vmem>>, vector<1x16xf32>,
      %select_n3A_450 = arith.select %lt3A_401, %get3A_169, %get3A_209 : vector<16xi1>, vector<16xf32>
      %add3A_451 = arith.constant 1 : i32
      %add3A_452 = arith.addi %mul3A_327, %add3A_451 : i32
      %swap3A_453 = arith.index_cast %add3A_452 : i32 to index
      %swap3A_454 = arith.constant 96 : index
      %swap3A_455 = tpu.vector_load %arg10[%swap3A_453, %swap3A_454] {strides = array<i32>} : memref<256x128xf32, #tpu.memory_space<vmem>>, vector<1x16xf32>,
      %swap3A_456 = vector.shape_cast %swap3A_455 : vector<1x16xf32> to vector<16xf32>
      %swap3A_457 = vector.shape_cast %select_n3A_450 : vector<16xf32> to vector<1x16xf32>
      tpu.vector_store %arg10[%swap3A_453, %swap3A_454], %swap3A_457 {strides = array<i32>} : memref<256x128xf32, #tpu.memory_space<vmem>>, vector<1x16xf32>,
      %select_n3A_458 = arith.select %lt3A_401, %get3A_174, %get3A_214 : vector<16xi1>, vector<16xf32>
      %add3A_459 = arith.constant 1 : i32
      %add3A_460 = arith.addi %mul3A_327, %add3A_459 : i32
      %swap3A_461 = arith.index_cast %add3A_460 : i32 to index
      %swap3A_462 = arith.constant 112 : index
      %swap3A_463 = tpu.vector_load %arg10[%swap3A_461, %swap3A_462] {strides = array<i32>} : memref<256x128xf32, #tpu.memory_space<vmem>>, vector<1x16xf32>,
      %swap3A_464 = vector.shape_cast %swap3A_463 : vector<1x16xf32> to vector<16xf32>
      %swap3A_465 = vector.shape_cast %select_n3A_458 : vector<16xf32> to vector<1x16xf32>
      tpu.vector_store %arg10[%swap3A_461, %swap3A_462], %swap3A_465 {strides = array<i32>} : memref<256x128xf32, #tpu.memory_space<vmem>>, vector<1x16xf32>,
      %add3A_466 = arith.addi %mul3A_134, %mul3A_327 : i32
      %add3A_467 = arith.constant 2 : i32
      %add3A_468 = arith.addi %add3A_466, %add3A_467 : i32
      %broadcast_in_dim3A_469 = vector.broadcast %add3A_468 : i32 to vector<16xi32>
      %lt3A_470 = arith.cmpi slt, %broadcast_in_dim3A_469, %select_n3A_132 : vector<16xi32>
      %select_n3A_471 = arith.select %lt3A_470, %get3A_139, %get3A_179 : vector<16xi1>, vector<16xf32>
      %add3A_472 = arith.constant 2 : i32
      %add3A_473 = arith.addi %mul3A_327, %add3A_472 : i32
      %swap3A_474 = arith.index_cast %add3A_473 : i32 to index
      %swap3A_475 = arith.constant 0 : index
      %swap3A_476 = tpu.vector_load %arg10[%swap3A_474, %swap3A_475] {strides = array<i32>} : memref<256x128xf32, #tpu.memory_space<vmem>>, vector<1x16xf32>,
      %swap3A_477 = vector.shape_cast %swap3A_476 : vector<1x16xf32> to vector<16xf32>
      %swap3A_478 = vector.shape_cast %select_n3A_471 : vector<16xf32> to vector<1x16xf32>
      tpu.vector_store %arg10[%swap3A_474, %swap3A_475], %swap3A_478 {strides = array<i32>} : memref<256x128xf32, #tpu.memory_space<vmem>>, vector<1x16xf32>,
      %select_n3A_479 = arith.select %lt3A_470, %get3A_144, %get3A_184 : vector<16xi1>, vector<16xf32>
      %add3A_480 = arith.constant 2 : i32
      %add3A_481 = arith.addi %mul3A_327, %add3A_480 : i32
      %swap3A_482 = arith.index_cast %add3A_481 : i32 to index
      %swap3A_483 = arith.constant 16 : index
      %swap3A_484 = tpu.vector_load %arg10[%swap3A_482, %swap3A_483] {strides = array<i32>} : memref<256x128xf32, #tpu.memory_space<vmem>>, vector<1x16xf32>,
      %swap3A_485 = vector.shape_cast %swap3A_484 : vector<1x16xf32> to vector<16xf32>
      %swap3A_486 = vector.shape_cast %select_n3A_479 : vector<16xf32> to vector<1x16xf32>
      tpu.vector_store %arg10[%swap3A_482, %swap3A_483], %swap3A_486 {strides = array<i32>} : memref<256x128xf32, #tpu.memory_space<vmem>>, vector<1x16xf32>,
      %select_n3A_487 = arith.select %lt3A_470, %get3A_149, %get3A_189 : vector<16xi1>, vector<16xf32>
      %add3A_488 = arith.constant 2 : i32
      %add3A_489 = arith.addi %mul3A_327, %add3A_488 : i32
      %swap3A_490 = arith.index_cast %add3A_489 : i32 to index
      %swap3A_491 = arith.constant 32 : index
      %swap3A_492 = tpu.vector_load %arg10[%swap3A_490, %swap3A_491] {strides = array<i32>} : memref<256x128xf32, #tpu.memory_space<vmem>>, vector<1x16xf32>,
      %swap3A_493 = vector.shape_cast %swap3A_492 : vector<1x16xf32> to vector<16xf32>
      %swap3A_494 = vector.shape_cast %select_n3A_487 : vector<16xf32> to vector<1x16xf32>
      tpu.vector_store %arg10[%swap3A_490, %swap3A_491], %swap3A_494 {strides = array<i32>} : memref<256x128xf32, #tpu.memory_space<vmem>>, vector<1x16xf32>,
      %select_n3A_495 = arith.select %lt3A_470, %get3A_154, %get3A_194 : vector<16xi1>, vector<16xf32>
      %add3A_496 = arith.constant 2 : i32
      %add3A_497 = arith.addi %mul3A_327, %add3A_496 : i32
      %swap3A_498 = arith.index_cast %add3A_497 : i32 to index
      %swap3A_499 = arith.constant 48 : index
      %swap3A_500 = tpu.vector_load %arg10[%swap3A_498, %swap3A_499] {strides = array<i32>} : memref<256x128xf32, #tpu.memory_space<vmem>>, vector<1x16xf32>,
      %swap3A_501 = vector.shape_cast %swap3A_500 : vector<1x16xf32> to vector<16xf32>
      %swap3A_502 = vector.shape_cast %select_n3A_495 : vector<16xf32> to vector<1x16xf32>
      tpu.vector_store %arg10[%swap3A_498, %swap3A_499], %swap3A_502 {strides = array<i32>} : memref<256x128xf32, #tpu.memory_space<vmem>>, vector<1x16xf32>,
      %select_n3A_503 = arith.select %lt3A_470, %get3A_159, %get3A_199 : vector<16xi1>, vector<16xf32>
      %add3A_504 = arith.constant 2 : i32
      %add3A_505 = arith.addi %mul3A_327, %add3A_504 : i32
      %swap3A_506 = arith.index_cast %add3A_505 : i32 to index
      %swap3A_507 = arith.constant 64 : index
      %swap3A_508 = tpu.vector_load %arg10[%swap3A_506, %swap3A_507] {strides = array<i32>} : memref<256x128xf32, #tpu.memory_space<vmem>>, vector<1x16xf32>,
      %swap3A_509 = vector.shape_cast %swap3A_508 : vector<1x16xf32> to vector<16xf32>
      %swap3A_510 = vector.shape_cast %select_n3A_503 : vector<16xf32> to vector<1x16xf32>
      tpu.vector_store %arg10[%swap3A_506, %swap3A_507], %swap3A_510 {strides = array<i32>} : memref<256x128xf32, #tpu.memory_space<vmem>>, vector<1x16xf32>,
      %select_n3A_511 = arith.select %lt3A_470, %get3A_164, %get3A_204 : vector<16xi1>, vector<16xf32>
      %add3A_512 = arith.constant 2 : i32
      %add3A_513 = arith.addi %mul3A_327, %add3A_512 : i32
      %swap3A_514 = arith.index_cast %add3A_513 : i32 to index
      %swap3A_515 = arith.constant 80 : index
      %swap3A_516 = tpu.vector_load %arg10[%swap3A_514, %swap3A_515] {strides = array<i32>} : memref<256x128xf32, #tpu.memory_space<vmem>>, vector<1x16xf32>,
      %swap3A_517 = vector.shape_cast %swap3A_516 : vector<1x16xf32> to vector<16xf32>
      %swap3A_518 = vector.shape_cast %select_n3A_511 : vector<16xf32> to vector<1x16xf32>
      tpu.vector_store %arg10[%swap3A_514, %swap3A_515], %swap3A_518 {strides = array<i32>} : memref<256x128xf32, #tpu.memory_space<vmem>>, vector<1x16xf32>,
      %select_n3A_519 = arith.select %lt3A_470, %get3A_169, %get3A_209 : vector<16xi1>, vector<16xf32>
      %add3A_520 = arith.constant 2 : i32
      %add3A_521 = arith.addi %mul3A_327, %add3A_520 : i32
      %swap3A_522 = arith.index_cast %add3A_521 : i32 to index
      %swap3A_523 = arith.constant 96 : index
      %swap3A_524 = tpu.vector_load %arg10[%swap3A_522, %swap3A_523] {strides = array<i32>} : memref<256x128xf32, #tpu.memory_space<vmem>>, vector<1x16xf32>,
      %swap3A_525 = vector.shape_cast %swap3A_524 : vector<1x16xf32> to vector<16xf32>
      %swap3A_526 = vector.shape_cast %select_n3A_519 : vector<16xf32> to vector<1x16xf32>
      tpu.vector_store %arg10[%swap3A_522, %swap3A_523], %swap3A_526 {strides = array<i32>} : memref<256x128xf32, #tpu.memory_space<vmem>>, vector<1x16xf32>,
      %select_n3A_527 = arith.select %lt3A_470, %get3A_174, %get3A_214 : vector<16xi1>, vector<16xf32>
      %add3A_528 = arith.constant 2 : i32
      %add3A_529 = arith.addi %mul3A_327, %add3A_528 : i32
      %swap3A_530 = arith.index_cast %add3A_529 : i32 to index
      %swap3A_531 = arith.constant 112 : index
      %swap3A_532 = tpu.vector_load %arg10[%swap3A_530, %swap3A_531] {strides = array<i32>} : memref<256x128xf32, #tpu.memory_space<vmem>>, vector<1x16xf32>,
      %swap3A_533 = vector.shape_cast %swap3A_532 : vector<1x16xf32> to vector<16xf32>
      %swap3A_534 = vector.shape_cast %select_n3A_527 : vector<16xf32> to vector<1x16xf32>
      tpu.vector_store %arg10[%swap3A_530, %swap3A_531], %swap3A_534 {strides = array<i32>} : memref<256x128xf32, #tpu.memory_space<vmem>>, vector<1x16xf32>,
      %add3A_535 = arith.addi %mul3A_134, %mul3A_327 : i32
      %add3A_536 = arith.constant 3 : i32
      %add3A_537 = arith.addi %add3A_535, %add3A_536 : i32
      %broadcast_in_dim3A_538 = vector.broadcast %add3A_537 : i32 to vector<16xi32>
      %lt3A_539 = arith.cmpi slt, %broadcast_in_dim3A_538, %select_n3A_132 : vector<16xi32>
      %select_n3A_540 = arith.select %lt3A_539, %get3A_139, %get3A_179 : vector<16xi1>, vector<16xf32>
      %add3A_541 = arith.constant 3 : i32
      %add3A_542 = arith.addi %mul3A_327, %add3A_541 : i32
      %swap3A_543 = arith.index_cast %add3A_542 : i32 to index
      %swap3A_544 = arith.constant 0 : index
      %swap3A_545 = tpu.vector_load %arg10[%swap3A_543, %swap3A_544] {strides = array<i32>} : memref<256x128xf32, #tpu.memory_space<vmem>>, vector<1x16xf32>,
      %swap3A_546 = vector.shape_cast %swap3A_545 : vector<1x16xf32> to vector<16xf32>
      %swap3A_547 = vector.shape_cast %select_n3A_540 : vector<16xf32> to vector<1x16xf32>
      tpu.vector_store %arg10[%swap3A_543, %swap3A_544], %swap3A_547 {strides = array<i32>} : memref<256x128xf32, #tpu.memory_space<vmem>>, vector<1x16xf32>,
      %select_n3A_548 = arith.select %lt3A_539, %get3A_144, %get3A_184 : vector<16xi1>, vector<16xf32>
      %add3A_549 = arith.constant 3 : i32
      %add3A_550 = arith.addi %mul3A_327, %add3A_549 : i32
      %swap3A_551 = arith.index_cast %add3A_550 : i32 to index
      %swap3A_552 = arith.constant 16 : index
      %swap3A_553 = tpu.vector_load %arg10[%swap3A_551, %swap3A_552] {strides = array<i32>} : memref<256x128xf32, #tpu.memory_space<vmem>>, vector<1x16xf32>,
      %swap3A_554 = vector.shape_cast %swap3A_553 : vector<1x16xf32> to vector<16xf32>
      %swap3A_555 = vector.shape_cast %select_n3A_548 : vector<16xf32> to vector<1x16xf32>
      tpu.vector_store %arg10[%swap3A_551, %swap3A_552], %swap3A_555 {strides = array<i32>} : memref<256x128xf32, #tpu.memory_space<vmem>>, vector<1x16xf32>,
      %select_n3A_556 = arith.select %lt3A_539, %get3A_149, %get3A_189 : vector<16xi1>, vector<16xf32>
      %add3A_557 = arith.constant 3 : i32
      %add3A_558 = arith.addi %mul3A_327, %add3A_557 : i32
      %swap3A_559 = arith.index_cast %add3A_558 : i32 to index
      %swap3A_560 = arith.constant 32 : index
      %swap3A_561 = tpu.vector_load %arg10[%swap3A_559, %swap3A_560] {strides = array<i32>} : memref<256x128xf32, #tpu.memory_space<vmem>>, vector<1x16xf32>,
      %swap3A_562 = vector.shape_cast %swap3A_561 : vector<1x16xf32> to vector<16xf32>
      %swap3A_563 = vector.shape_cast %select_n3A_556 : vector<16xf32> to vector<1x16xf32>
      tpu.vector_store %arg10[%swap3A_559, %swap3A_560], %swap3A_563 {strides = array<i32>} : memref<256x128xf32, #tpu.memory_space<vmem>>, vector<1x16xf32>,
      %select_n3A_564 = arith.select %lt3A_539, %get3A_154, %get3A_194 : vector<16xi1>, vector<16xf32>
      %add3A_565 = arith.constant 3 : i32
      %add3A_566 = arith.addi %mul3A_327, %add3A_565 : i32
      %swap3A_567 = arith.index_cast %add3A_566 : i32 to index
      %swap3A_568 = arith.constant 48 : index
      %swap3A_569 = tpu.vector_load %arg10[%swap3A_567, %swap3A_568] {strides = array<i32>} : memref<256x128xf32, #tpu.memory_space<vmem>>, vector<1x16xf32>,
      %swap3A_570 = vector.shape_cast %swap3A_569 : vector<1x16xf32> to vector<16xf32>
      %swap3A_571 = vector.shape_cast %select_n3A_564 : vector<16xf32> to vector<1x16xf32>
      tpu.vector_store %arg10[%swap3A_567, %swap3A_568], %swap3A_571 {strides = array<i32>} : memref<256x128xf32, #tpu.memory_space<vmem>>, vector<1x16xf32>,
      %select_n3A_572 = arith.select %lt3A_539, %get3A_159, %get3A_199 : vector<16xi1>, vector<16xf32>
      %add3A_573 = arith.constant 3 : i32
      %add3A_574 = arith.addi %mul3A_327, %add3A_573 : i32
      %swap3A_575 = arith.index_cast %add3A_574 : i32 to index
      %swap3A_576 = arith.constant 64 : index
      %swap3A_577 = tpu.vector_load %arg10[%swap3A_575, %swap3A_576] {strides = array<i32>} : memref<256x128xf32, #tpu.memory_space<vmem>>, vector<1x16xf32>,
      %swap3A_578 = vector.shape_cast %swap3A_577 : vector<1x16xf32> to vector<16xf32>
      %swap3A_579 = vector.shape_cast %select_n3A_572 : vector<16xf32> to vector<1x16xf32>
      tpu.vector_store %arg10[%swap3A_575, %swap3A_576], %swap3A_579 {strides = array<i32>} : memref<256x128xf32, #tpu.memory_space<vmem>>, vector<1x16xf32>,
      %select_n3A_580 = arith.select %lt3A_539, %get3A_164, %get3A_204 : vector<16xi1>, vector<16xf32>
      %add3A_581 = arith.constant 3 : i32
      %add3A_582 = arith.addi %mul3A_327, %add3A_581 : i32
      %swap3A_583 = arith.index_cast %add3A_582 : i32 to index
      %swap3A_584 = arith.constant 80 : index
      %swap3A_585 = tpu.vector_load %arg10[%swap3A_583, %swap3A_584] {strides = array<i32>} : memref<256x128xf32, #tpu.memory_space<vmem>>, vector<1x16xf32>,
      %swap3A_586 = vector.shape_cast %swap3A_585 : vector<1x16xf32> to vector<16xf32>
      %swap3A_587 = vector.shape_cast %select_n3A_580 : vector<16xf32> to vector<1x16xf32>
      tpu.vector_store %arg10[%swap3A_583, %swap3A_584], %swap3A_587 {strides = array<i32>} : memref<256x128xf32, #tpu.memory_space<vmem>>, vector<1x16xf32>,
      %select_n3A_588 = arith.select %lt3A_539, %get3A_169, %get3A_209 : vector<16xi1>, vector<16xf32>
      %add3A_589 = arith.constant 3 : i32
      %add3A_590 = arith.addi %mul3A_327, %add3A_589 : i32
      %swap3A_591 = arith.index_cast %add3A_590 : i32 to index
      %swap3A_592 = arith.constant 96 : index
      %swap3A_593 = tpu.vector_load %arg10[%swap3A_591, %swap3A_592] {strides = array<i32>} : memref<256x128xf32, #tpu.memory_space<vmem>>, vector<1x16xf32>,
      %swap3A_594 = vector.shape_cast %swap3A_593 : vector<1x16xf32> to vector<16xf32>
      %swap3A_595 = vector.shape_cast %select_n3A_588 : vector<16xf32> to vector<1x16xf32>
      tpu.vector_store %arg10[%swap3A_591, %swap3A_592], %swap3A_595 {strides = array<i32>} : memref<256x128xf32, #tpu.memory_space<vmem>>, vector<1x16xf32>,
      %select_n3A_596 = arith.select %lt3A_539, %get3A_174, %get3A_214 : vector<16xi1>, vector<16xf32>
      %add3A_597 = arith.constant 3 : i32
      %add3A_598 = arith.addi %mul3A_327, %add3A_597 : i32
      %swap3A_599 = arith.index_cast %add3A_598 : i32 to index
      %swap3A_600 = arith.constant 112 : index
      %swap3A_601 = tpu.vector_load %arg10[%swap3A_599, %swap3A_600] {strides = array<i32>} : memref<256x128xf32, #tpu.memory_space<vmem>>, vector<1x16xf32>,
      %swap3A_602 = vector.shape_cast %swap3A_601 : vector<1x16xf32> to vector<16xf32>
      %swap3A_603 = vector.shape_cast %select_n3A_596 : vector<16xf32> to vector<1x16xf32>
      tpu.vector_store %arg10[%swap3A_599, %swap3A_600], %swap3A_603 {strides = array<i32>} : memref<256x128xf32, #tpu.memory_space<vmem>>, vector<1x16xf32>,
    }
    %scan3A_220 = arith.constant 16 : i32
    %add3A_221 = arith.constant 0 : i32
    %add3A_222 = arith.addi %mul3A_134, %add3A_221 : i32
    %dma_start3A = arith.constant 0 : i32
    %dma_start3A_223 = arith.constant 0 : i32
    %dma_start3A_224 = tpu.memref_slice %arg10[%dma_start3A, %dma_start3A_223] : memref<256x128xf32, #tpu.memory_space<vmem>> -> memref<64x128xf32, #tpu.memory_space<vmem>>
    %dma_start3A_225 = arith.constant 0 : i32
    %dma_start3A_226 = tpu.memref_slice %arg4[%add3A_222, %dma_start3A_225] : memref<8192x128xf32, #tpu.memory_space<hbm>> -> memref<64x128xf32, #tpu.memory_space<hbm>>
    %dma_start3A_227 = arith.constant 0 : i32
    %dma_start3A_228 = tpu.memref_slice %arg4[%add3A_222, %dma_start3A_227] : memref<8192x128xf32, #tpu.memory_space<hbm>> -> memref<64x128xf32, #tpu.memory_space<hbm>>
    %dma_start3A_229 = arith.constant 0 : i32
    %dma_start3A_230 = arith.constant 0 : i32
    %dma_start3A_231 = tpu.memref_slice %arg10[%dma_start3A_229, %dma_start3A_230] : memref<256x128xf32, #tpu.memory_space<vmem>> -> memref<64x128xf32, #tpu.memory_space<vmem>>
    tpu.enqueue_dma source(%dma_start3A_231 : memref<64x128xf32, #tpu.memory_space<vmem>>) target(%dma_start3A_228 : memref<64x128xf32, #tpu.memory_space<hbm>>) target_semaphore(%arg11 : memref<!tpu.dma_semaphore, #tpu.memory_space<semaphore_mem>>)
    %scan3A_232 = arith.constant 0 : i32
    %scan3A_233 = arith.constant 16 : i32
    %scan3A_234 = arith.constant 16 : i32
    %scan3A_235 = arith.addi %scan3A_233, %scan3A_234 : i32
    %scan3A_236 = arith.constant 1 : i32
    scf.for %scan3A_325 = %scan3A_233 to %scan3A_235 step %scan3A_236  : i32 {
      %mul3A_326 = arith.constant 4 : i32
      %mul3A_327 = arith.muli %scan3A_325, %mul3A_326 : i32
      %add3A_328 = arith.addi %mul3A_134, %mul3A_327 : i32
      %add3A_329 = arith.constant 0 : i32
      %add3A_330 = arith.addi %add3A_328, %add3A_329 : i32
      %broadcast_in_dim3A_331 = vector.broadcast %add3A_330 : i32 to vector<16xi32>
      %lt3A_332 = arith.cmpi slt, %broadcast_in_dim3A_331, %select_n3A_132 : vector<16xi32>
      %select_n3A_333 = arith.select %lt3A_332, %get3A_139, %get3A_179 : vector<16xi1>, vector<16xf32>
      %add3A_334 = arith.constant 0 : i32
      %add3A_335 = arith.addi %mul3A_327, %add3A_334 : i32
      %swap3A_336 = arith.index_cast %add3A_335 : i32 to index
      %swap3A_337 = arith.constant 0 : index
      %swap3A_338 = tpu.vector_load %arg10[%swap3A_336, %swap3A_337] {strides = array<i32>} : memref<256x128xf32, #tpu.memory_space<vmem>>, vector<1x16xf32>,
      %swap3A_339 = vector.shape_cast %swap3A_338 : vector<1x16xf32> to vector<16xf32>
      %swap3A_340 = vector.shape_cast %select_n3A_333 : vector<16xf32> to vector<1x16xf32>
      tpu.vector_store %arg10[%swap3A_336, %swap3A_337], %swap3A_340 {strides = array<i32>} : memref<256x128xf32, #tpu.memory_space<vmem>>, vector<1x16xf32>,
      %select_n3A_341 = arith.select %lt3A_332, %get3A_144, %get3A_184 : vector<16xi1>, vector<16xf32>
      %add3A_342 = arith.constant 0 : i32
      %add3A_343 = arith.addi %mul3A_327, %add3A_342 : i32
      %swap3A_344 = arith.index_cast %add3A_343 : i32 to index
      %swap3A_345 = arith.constant 16 : index
      %swap3A_346 = tpu.vector_load %arg10[%swap3A_344, %swap3A_345] {strides = array<i32>} : memref<256x128xf32, #tpu.memory_space<vmem>>, vector<1x16xf32>,
      %swap3A_347 = vector.shape_cast %swap3A_346 : vector<1x16xf32> to vector<16xf32>
      %swap3A_348 = vector.shape_cast %select_n3A_341 : vector<16xf32> to vector<1x16xf32>
      tpu.vector_store %arg10[%swap3A_344, %swap3A_345], %swap3A_348 {strides = array<i32>} : memref<256x128xf32, #tpu.memory_space<vmem>>, vector<1x16xf32>,
      %select_n3A_349 = arith.select %lt3A_332, %get3A_149, %get3A_189 : vector<16xi1>, vector<16xf32>
      %add3A_350 = arith.constant 0 : i32
      %add3A_351 = arith.addi %mul3A_327, %add3A_350 : i32
      %swap3A_352 = arith.index_cast %add3A_351 : i32 to index
      %swap3A_353 = arith.constant 32 : index
      %swap3A_354 = tpu.vector_load %arg10[%swap3A_352, %swap3A_353] {strides = array<i32>} : memref<256x128xf32, #tpu.memory_space<vmem>>, vector<1x16xf32>,
      %swap3A_355 = vector.shape_cast %swap3A_354 : vector<1x16xf32> to vector<16xf32>
      %swap3A_356 = vector.shape_cast %select_n3A_349 : vector<16xf32> to vector<1x16xf32>
      tpu.vector_store %arg10[%swap3A_352, %swap3A_353], %swap3A_356 {strides = array<i32>} : memref<256x128xf32, #tpu.memory_space<vmem>>, vector<1x16xf32>,
      %select_n3A_357 = arith.select %lt3A_332, %get3A_154, %get3A_194 : vector<16xi1>, vector<16xf32>
      %add3A_358 = arith.constant 0 : i32
      %add3A_359 = arith.addi %mul3A_327, %add3A_358 : i32
      %swap3A_360 = arith.index_cast %add3A_359 : i32 to index
      %swap3A_361 = arith.constant 48 : index
      %swap3A_362 = tpu.vector_load %arg10[%swap3A_360, %swap3A_361] {strides = array<i32>} : memref<256x128xf32, #tpu.memory_space<vmem>>, vector<1x16xf32>,
      %swap3A_363 = vector.shape_cast %swap3A_362 : vector<1x16xf32> to vector<16xf32>
      %swap3A_364 = vector.shape_cast %select_n3A_357 : vector<16xf32> to vector<1x16xf32>
      tpu.vector_store %arg10[%swap3A_360, %swap3A_361], %swap3A_364 {strides = array<i32>} : memref<256x128xf32, #tpu.memory_space<vmem>>, vector<1x16xf32>,
      %select_n3A_365 = arith.select %lt3A_332, %get3A_159, %get3A_199 : vector<16xi1>, vector<16xf32>
      %add3A_366 = arith.constant 0 : i32
      %add3A_367 = arith.addi %mul3A_327, %add3A_366 : i32
      %swap3A_368 = arith.index_cast %add3A_367 : i32 to index
      %swap3A_369 = arith.constant 64 : index
      %swap3A_370 = tpu.vector_load %arg10[%swap3A_368, %swap3A_369] {strides = array<i32>} : memref<256x128xf32, #tpu.memory_space<vmem>>, vector<1x16xf32>,
      %swap3A_371 = vector.shape_cast %swap3A_370 : vector<1x16xf32> to vector<16xf32>
      %swap3A_372 = vector.shape_cast %select_n3A_365 : vector<16xf32> to vector<1x16xf32>
      tpu.vector_store %arg10[%swap3A_368, %swap3A_369], %swap3A_372 {strides = array<i32>} : memref<256x128xf32, #tpu.memory_space<vmem>>, vector<1x16xf32>,
      %select_n3A_373 = arith.select %lt3A_332, %get3A_164, %get3A_204 : vector<16xi1>, vector<16xf32>
      %add3A_374 = arith.constant 0 : i32
      %add3A_375 = arith.addi %mul3A_327, %add3A_374 : i32
      %swap3A_376 = arith.index_cast %add3A_375 : i32 to index
      %swap3A_377 = arith.constant 80 : index
      %swap3A_378 = tpu.vector_load %arg10[%swap3A_376, %swap3A_377] {strides = array<i32>} : memref<256x128xf32, #tpu.memory_space<vmem>>, vector<1x16xf32>,
      %swap3A_379 = vector.shape_cast %swap3A_378 : vector<1x16xf32> to vector<16xf32>
      %swap3A_380 = vector.shape_cast %select_n3A_373 : vector<16xf32> to vector<1x16xf32>
      tpu.vector_store %arg10[%swap3A_376, %swap3A_377], %swap3A_380 {strides = array<i32>} : memref<256x128xf32, #tpu.memory_space<vmem>>, vector<1x16xf32>,
      %select_n3A_381 = arith.select %lt3A_332, %get3A_169, %get3A_209 : vector<16xi1>, vector<16xf32>
      %add3A_382 = arith.constant 0 : i32
      %add3A_383 = arith.addi %mul3A_327, %add3A_382 : i32
      %swap3A_384 = arith.index_cast %add3A_383 : i32 to index
      %swap3A_385 = arith.constant 96 : index
      %swap3A_386 = tpu.vector_load %arg10[%swap3A_384, %swap3A_385] {strides = array<i32>} : memref<256x128xf32, #tpu.memory_space<vmem>>, vector<1x16xf32>,
      %swap3A_387 = vector.shape_cast %swap3A_386 : vector<1x16xf32> to vector<16xf32>
      %swap3A_388 = vector.shape_cast %select_n3A_381 : vector<16xf32> to vector<1x16xf32>
      tpu.vector_store %arg10[%swap3A_384, %swap3A_385], %swap3A_388 {strides = array<i32>} : memref<256x128xf32, #tpu.memory_space<vmem>>, vector<1x16xf32>,
      %select_n3A_389 = arith.select %lt3A_332, %get3A_174, %get3A_214 : vector<16xi1>, vector<16xf32>
      %add3A_390 = arith.constant 0 : i32
      %add3A_391 = arith.addi %mul3A_327, %add3A_390 : i32
      %swap3A_392 = arith.index_cast %add3A_391 : i32 to index
      %swap3A_393 = arith.constant 112 : index
      %swap3A_394 = tpu.vector_load %arg10[%swap3A_392, %swap3A_393] {strides = array<i32>} : memref<256x128xf32, #tpu.memory_space<vmem>>, vector<1x16xf32>,
      %swap3A_395 = vector.shape_cast %swap3A_394 : vector<1x16xf32> to vector<16xf32>
      %swap3A_396 = vector.shape_cast %select_n3A_389 : vector<16xf32> to vector<1x16xf32>
      tpu.vector_store %arg10[%swap3A_392, %swap3A_393], %swap3A_396 {strides = array<i32>} : memref<256x128xf32, #tpu.memory_space<vmem>>, vector<1x16xf32>,
      %add3A_397 = arith.addi %mul3A_134, %mul3A_327 : i32
      %add3A_398 = arith.constant 1 : i32
      %add3A_399 = arith.addi %add3A_397, %add3A_398 : i32
      %broadcast_in_dim3A_400 = vector.broadcast %add3A_399 : i32 to vector<16xi32>
      %lt3A_401 = arith.cmpi slt, %broadcast_in_dim3A_400, %select_n3A_132 : vector<16xi32>
      %select_n3A_402 = arith.select %lt3A_401, %get3A_139, %get3A_179 : vector<16xi1>, vector<16xf32>
      %add3A_403 = arith.constant 1 : i32
      %add3A_404 = arith.addi %mul3A_327, %add3A_403 : i32
      %swap3A_405 = arith.index_cast %add3A_404 : i32 to index
      %swap3A_406 = arith.constant 0 : index
      %swap3A_407 = tpu.vector_load %arg10[%swap3A_405, %swap3A_406] {strides = array<i32>} : memref<256x128xf32, #tpu.memory_space<vmem>>, vector<1x16xf32>,
      %swap3A_408 = vector.shape_cast %swap3A_407 : vector<1x16xf32> to vector<16xf32>
      %swap3A_409 = vector.shape_cast %select_n3A_402 : vector<16xf32> to vector<1x16xf32>
      tpu.vector_store %arg10[%swap3A_405, %swap3A_406], %swap3A_409 {strides = array<i32>} : memref<256x128xf32, #tpu.memory_space<vmem>>, vector<1x16xf32>,
      %select_n3A_410 = arith.select %lt3A_401, %get3A_144, %get3A_184 : vector<16xi1>, vector<16xf32>
      %add3A_411 = arith.constant 1 : i32
      %add3A_412 = arith.addi %mul3A_327, %add3A_411 : i32
      %swap3A_413 = arith.index_cast %add3A_412 : i32 to index
      %swap3A_414 = arith.constant 16 : index
      %swap3A_415 = tpu.vector_load %arg10[%swap3A_413, %swap3A_414] {strides = array<i32>} : memref<256x128xf32, #tpu.memory_space<vmem>>, vector<1x16xf32>,
      %swap3A_416 = vector.shape_cast %swap3A_415 : vector<1x16xf32> to vector<16xf32>
      %swap3A_417 = vector.shape_cast %select_n3A_410 : vector<16xf32> to vector<1x16xf32>
      tpu.vector_store %arg10[%swap3A_413, %swap3A_414], %swap3A_417 {strides = array<i32>} : memref<256x128xf32, #tpu.memory_space<vmem>>, vector<1x16xf32>,
      %select_n3A_418 = arith.select %lt3A_401, %get3A_149, %get3A_189 : vector<16xi1>, vector<16xf32>
      %add3A_419 = arith.constant 1 : i32
      %add3A_420 = arith.addi %mul3A_327, %add3A_419 : i32
      %swap3A_421 = arith.index_cast %add3A_420 : i32 to index
      %swap3A_422 = arith.constant 32 : index
      %swap3A_423 = tpu.vector_load %arg10[%swap3A_421, %swap3A_422] {strides = array<i32>} : memref<256x128xf32, #tpu.memory_space<vmem>>, vector<1x16xf32>,
      %swap3A_424 = vector.shape_cast %swap3A_423 : vector<1x16xf32> to vector<16xf32>
      %swap3A_425 = vector.shape_cast %select_n3A_418 : vector<16xf32> to vector<1x16xf32>
      tpu.vector_store %arg10[%swap3A_421, %swap3A_422], %swap3A_425 {strides = array<i32>} : memref<256x128xf32, #tpu.memory_space<vmem>>, vector<1x16xf32>,
      %select_n3A_426 = arith.select %lt3A_401, %get3A_154, %get3A_194 : vector<16xi1>, vector<16xf32>
      %add3A_427 = arith.constant 1 : i32
      %add3A_428 = arith.addi %mul3A_327, %add3A_427 : i32
      %swap3A_429 = arith.index_cast %add3A_428 : i32 to index
      %swap3A_430 = arith.constant 48 : index
      %swap3A_431 = tpu.vector_load %arg10[%swap3A_429, %swap3A_430] {strides = array<i32>} : memref<256x128xf32, #tpu.memory_space<vmem>>, vector<1x16xf32>,
      %swap3A_432 = vector.shape_cast %swap3A_431 : vector<1x16xf32> to vector<16xf32>
      %swap3A_433 = vector.shape_cast %select_n3A_426 : vector<16xf32> to vector<1x16xf32>
      tpu.vector_store %arg10[%swap3A_429, %swap3A_430], %swap3A_433 {strides = array<i32>} : memref<256x128xf32, #tpu.memory_space<vmem>>, vector<1x16xf32>,
      %select_n3A_434 = arith.select %lt3A_401, %get3A_159, %get3A_199 : vector<16xi1>, vector<16xf32>
      %add3A_435 = arith.constant 1 : i32
      %add3A_436 = arith.addi %mul3A_327, %add3A_435 : i32
      %swap3A_437 = arith.index_cast %add3A_436 : i32 to index
      %swap3A_438 = arith.constant 64 : index
      %swap3A_439 = tpu.vector_load %arg10[%swap3A_437, %swap3A_438] {strides = array<i32>} : memref<256x128xf32, #tpu.memory_space<vmem>>, vector<1x16xf32>,
      %swap3A_440 = vector.shape_cast %swap3A_439 : vector<1x16xf32> to vector<16xf32>
      %swap3A_441 = vector.shape_cast %select_n3A_434 : vector<16xf32> to vector<1x16xf32>
      tpu.vector_store %arg10[%swap3A_437, %swap3A_438], %swap3A_441 {strides = array<i32>} : memref<256x128xf32, #tpu.memory_space<vmem>>, vector<1x16xf32>,
      %select_n3A_442 = arith.select %lt3A_401, %get3A_164, %get3A_204 : vector<16xi1>, vector<16xf32>
      %add3A_443 = arith.constant 1 : i32
      %add3A_444 = arith.addi %mul3A_327, %add3A_443 : i32
      %swap3A_445 = arith.index_cast %add3A_444 : i32 to index
      %swap3A_446 = arith.constant 80 : index
      %swap3A_447 = tpu.vector_load %arg10[%swap3A_445, %swap3A_446] {strides = array<i32>} : memref<256x128xf32, #tpu.memory_space<vmem>>, vector<1x16xf32>,
      %swap3A_448 = vector.shape_cast %swap3A_447 : vector<1x16xf32> to vector<16xf32>
      %swap3A_449 = vector.shape_cast %select_n3A_442 : vector<16xf32> to vector<1x16xf32>
      tpu.vector_store %arg10[%swap3A_445, %swap3A_446], %swap3A_449 {strides = array<i32>} : memref<256x128xf32, #tpu.memory_space<vmem>>, vector<1x16xf32>,
      %select_n3A_450 = arith.select %lt3A_401, %get3A_169, %get3A_209 : vector<16xi1>, vector<16xf32>
      %add3A_451 = arith.constant 1 : i32
      %add3A_452 = arith.addi %mul3A_327, %add3A_451 : i32
      %swap3A_453 = arith.index_cast %add3A_452 : i32 to index
      %swap3A_454 = arith.constant 96 : index
      %swap3A_455 = tpu.vector_load %arg10[%swap3A_453, %swap3A_454] {strides = array<i32>} : memref<256x128xf32, #tpu.memory_space<vmem>>, vector<1x16xf32>,
      %swap3A_456 = vector.shape_cast %swap3A_455 : vector<1x16xf32> to vector<16xf32>
      %swap3A_457 = vector.shape_cast %select_n3A_450 : vector<16xf32> to vector<1x16xf32>
      tpu.vector_store %arg10[%swap3A_453, %swap3A_454], %swap3A_457 {strides = array<i32>} : memref<256x128xf32, #tpu.memory_space<vmem>>, vector<1x16xf32>,
      %select_n3A_458 = arith.select %lt3A_401, %get3A_174, %get3A_214 : vector<16xi1>, vector<16xf32>
      %add3A_459 = arith.constant 1 : i32
      %add3A_460 = arith.addi %mul3A_327, %add3A_459 : i32
      %swap3A_461 = arith.index_cast %add3A_460 : i32 to index
      %swap3A_462 = arith.constant 112 : index
      %swap3A_463 = tpu.vector_load %arg10[%swap3A_461, %swap3A_462] {strides = array<i32>} : memref<256x128xf32, #tpu.memory_space<vmem>>, vector<1x16xf32>,
      %swap3A_464 = vector.shape_cast %swap3A_463 : vector<1x16xf32> to vector<16xf32>
      %swap3A_465 = vector.shape_cast %select_n3A_458 : vector<16xf32> to vector<1x16xf32>
      tpu.vector_store %arg10[%swap3A_461, %swap3A_462], %swap3A_465 {strides = array<i32>} : memref<256x128xf32, #tpu.memory_space<vmem>>, vector<1x16xf32>,
      %add3A_466 = arith.addi %mul3A_134, %mul3A_327 : i32
      %add3A_467 = arith.constant 2 : i32
      %add3A_468 = arith.addi %add3A_466, %add3A_467 : i32
      %broadcast_in_dim3A_469 = vector.broadcast %add3A_468 : i32 to vector<16xi32>
      %lt3A_470 = arith.cmpi slt, %broadcast_in_dim3A_469, %select_n3A_132 : vector<16xi32>
      %select_n3A_471 = arith.select %lt3A_470, %get3A_139, %get3A_179 : vector<16xi1>, vector<16xf32>
      %add3A_472 = arith.constant 2 : i32
      %add3A_473 = arith.addi %mul3A_327, %add3A_472 : i32
      %swap3A_474 = arith.index_cast %add3A_473 : i32 to index
      %swap3A_475 = arith.constant 0 : index
      %swap3A_476 = tpu.vector_load %arg10[%swap3A_474, %swap3A_475] {strides = array<i32>} : memref<256x128xf32, #tpu.memory_space<vmem>>, vector<1x16xf32>,
      %swap3A_477 = vector.shape_cast %swap3A_476 : vector<1x16xf32> to vector<16xf32>
      %swap3A_478 = vector.shape_cast %select_n3A_471 : vector<16xf32> to vector<1x16xf32>
      tpu.vector_store %arg10[%swap3A_474, %swap3A_475], %swap3A_478 {strides = array<i32>} : memref<256x128xf32, #tpu.memory_space<vmem>>, vector<1x16xf32>,
      %select_n3A_479 = arith.select %lt3A_470, %get3A_144, %get3A_184 : vector<16xi1>, vector<16xf32>
      %add3A_480 = arith.constant 2 : i32
      %add3A_481 = arith.addi %mul3A_327, %add3A_480 : i32
      %swap3A_482 = arith.index_cast %add3A_481 : i32 to index
      %swap3A_483 = arith.constant 16 : index
      %swap3A_484 = tpu.vector_load %arg10[%swap3A_482, %swap3A_483] {strides = array<i32>} : memref<256x128xf32, #tpu.memory_space<vmem>>, vector<1x16xf32>,
      %swap3A_485 = vector.shape_cast %swap3A_484 : vector<1x16xf32> to vector<16xf32>
      %swap3A_486 = vector.shape_cast %select_n3A_479 : vector<16xf32> to vector<1x16xf32>
      tpu.vector_store %arg10[%swap3A_482, %swap3A_483], %swap3A_486 {strides = array<i32>} : memref<256x128xf32, #tpu.memory_space<vmem>>, vector<1x16xf32>,
      %select_n3A_487 = arith.select %lt3A_470, %get3A_149, %get3A_189 : vector<16xi1>, vector<16xf32>
      %add3A_488 = arith.constant 2 : i32
      %add3A_489 = arith.addi %mul3A_327, %add3A_488 : i32
      %swap3A_490 = arith.index_cast %add3A_489 : i32 to index
      %swap3A_491 = arith.constant 32 : index
      %swap3A_492 = tpu.vector_load %arg10[%swap3A_490, %swap3A_491] {strides = array<i32>} : memref<256x128xf32, #tpu.memory_space<vmem>>, vector<1x16xf32>,
      %swap3A_493 = vector.shape_cast %swap3A_492 : vector<1x16xf32> to vector<16xf32>
      %swap3A_494 = vector.shape_cast %select_n3A_487 : vector<16xf32> to vector<1x16xf32>
      tpu.vector_store %arg10[%swap3A_490, %swap3A_491], %swap3A_494 {strides = array<i32>} : memref<256x128xf32, #tpu.memory_space<vmem>>, vector<1x16xf32>,
      %select_n3A_495 = arith.select %lt3A_470, %get3A_154, %get3A_194 : vector<16xi1>, vector<16xf32>
      %add3A_496 = arith.constant 2 : i32
      %add3A_497 = arith.addi %mul3A_327, %add3A_496 : i32
      %swap3A_498 = arith.index_cast %add3A_497 : i32 to index
      %swap3A_499 = arith.constant 48 : index
      %swap3A_500 = tpu.vector_load %arg10[%swap3A_498, %swap3A_499] {strides = array<i32>} : memref<256x128xf32, #tpu.memory_space<vmem>>, vector<1x16xf32>,
      %swap3A_501 = vector.shape_cast %swap3A_500 : vector<1x16xf32> to vector<16xf32>
      %swap3A_502 = vector.shape_cast %select_n3A_495 : vector<16xf32> to vector<1x16xf32>
      tpu.vector_store %arg10[%swap3A_498, %swap3A_499], %swap3A_502 {strides = array<i32>} : memref<256x128xf32, #tpu.memory_space<vmem>>, vector<1x16xf32>,
      %select_n3A_503 = arith.select %lt3A_470, %get3A_159, %get3A_199 : vector<16xi1>, vector<16xf32>
      %add3A_504 = arith.constant 2 : i32
      %add3A_505 = arith.addi %mul3A_327, %add3A_504 : i32
      %swap3A_506 = arith.index_cast %add3A_505 : i32 to index
      %swap3A_507 = arith.constant 64 : index
      %swap3A_508 = tpu.vector_load %arg10[%swap3A_506, %swap3A_507] {strides = array<i32>} : memref<256x128xf32, #tpu.memory_space<vmem>>, vector<1x16xf32>,
      %swap3A_509 = vector.shape_cast %swap3A_508 : vector<1x16xf32> to vector<16xf32>
      %swap3A_510 = vector.shape_cast %select_n3A_503 : vector<16xf32> to vector<1x16xf32>
      tpu.vector_store %arg10[%swap3A_506, %swap3A_507], %swap3A_510 {strides = array<i32>} : memref<256x128xf32, #tpu.memory_space<vmem>>, vector<1x16xf32>,
      %select_n3A_511 = arith.select %lt3A_470, %get3A_164, %get3A_204 : vector<16xi1>, vector<16xf32>
      %add3A_512 = arith.constant 2 : i32
      %add3A_513 = arith.addi %mul3A_327, %add3A_512 : i32
      %swap3A_514 = arith.index_cast %add3A_513 : i32 to index
      %swap3A_515 = arith.constant 80 : index
      %swap3A_516 = tpu.vector_load %arg10[%swap3A_514, %swap3A_515] {strides = array<i32>} : memref<256x128xf32, #tpu.memory_space<vmem>>, vector<1x16xf32>,
      %swap3A_517 = vector.shape_cast %swap3A_516 : vector<1x16xf32> to vector<16xf32>
      %swap3A_518 = vector.shape_cast %select_n3A_511 : vector<16xf32> to vector<1x16xf32>
      tpu.vector_store %arg10[%swap3A_514, %swap3A_515], %swap3A_518 {strides = array<i32>} : memref<256x128xf32, #tpu.memory_space<vmem>>, vector<1x16xf32>,
      %select_n3A_519 = arith.select %lt3A_470, %get3A_169, %get3A_209 : vector<16xi1>, vector<16xf32>
      %add3A_520 = arith.constant 2 : i32
      %add3A_521 = arith.addi %mul3A_327, %add3A_520 : i32
      %swap3A_522 = arith.index_cast %add3A_521 : i32 to index
      %swap3A_523 = arith.constant 96 : index
      %swap3A_524 = tpu.vector_load %arg10[%swap3A_522, %swap3A_523] {strides = array<i32>} : memref<256x128xf32, #tpu.memory_space<vmem>>, vector<1x16xf32>,
      %swap3A_525 = vector.shape_cast %swap3A_524 : vector<1x16xf32> to vector<16xf32>
      %swap3A_526 = vector.shape_cast %select_n3A_519 : vector<16xf32> to vector<1x16xf32>
      tpu.vector_store %arg10[%swap3A_522, %swap3A_523], %swap3A_526 {strides = array<i32>} : memref<256x128xf32, #tpu.memory_space<vmem>>, vector<1x16xf32>,
      %select_n3A_527 = arith.select %lt3A_470, %get3A_174, %get3A_214 : vector<16xi1>, vector<16xf32>
      %add3A_528 = arith.constant 2 : i32
      %add3A_529 = arith.addi %mul3A_327, %add3A_528 : i32
      %swap3A_530 = arith.index_cast %add3A_529 : i32 to index
      %swap3A_531 = arith.constant 112 : index
      %swap3A_532 = tpu.vector_load %arg10[%swap3A_530, %swap3A_531] {strides = array<i32>} : memref<256x128xf32, #tpu.memory_space<vmem>>, vector<1x16xf32>,
      %swap3A_533 = vector.shape_cast %swap3A_532 : vector<1x16xf32> to vector<16xf32>
      %swap3A_534 = vector.shape_cast %select_n3A_527 : vector<16xf32> to vector<1x16xf32>
      tpu.vector_store %arg10[%swap3A_530, %swap3A_531], %swap3A_534 {strides = array<i32>} : memref<256x128xf32, #tpu.memory_space<vmem>>, vector<1x16xf32>,
      %add3A_535 = arith.addi %mul3A_134, %mul3A_327 : i32
      %add3A_536 = arith.constant 3 : i32
      %add3A_537 = arith.addi %add3A_535, %add3A_536 : i32
      %broadcast_in_dim3A_538 = vector.broadcast %add3A_537 : i32 to vector<16xi32>
      %lt3A_539 = arith.cmpi slt, %broadcast_in_dim3A_538, %select_n3A_132 : vector<16xi32>
      %select_n3A_540 = arith.select %lt3A_539, %get3A_139, %get3A_179 : vector<16xi1>, vector<16xf32>
      %add3A_541 = arith.constant 3 : i32
      %add3A_542 = arith.addi %mul3A_327, %add3A_541 : i32
      %swap3A_543 = arith.index_cast %add3A_542 : i32 to index
      %swap3A_544 = arith.constant 0 : index
      %swap3A_545 = tpu.vector_load %arg10[%swap3A_543, %swap3A_544] {strides = array<i32>} : memref<256x128xf32, #tpu.memory_space<vmem>>, vector<1x16xf32>,
      %swap3A_546 = vector.shape_cast %swap3A_545 : vector<1x16xf32> to vector<16xf32>
      %swap3A_547 = vector.shape_cast %select_n3A_540 : vector<16xf32> to vector<1x16xf32>
      tpu.vector_store %arg10[%swap3A_543, %swap3A_544], %swap3A_547 {strides = array<i32>} : memref<256x128xf32, #tpu.memory_space<vmem>>, vector<1x16xf32>,
      %select_n3A_548 = arith.select %lt3A_539, %get3A_144, %get3A_184 : vector<16xi1>, vector<16xf32>
      %add3A_549 = arith.constant 3 : i32
      %add3A_550 = arith.addi %mul3A_327, %add3A_549 : i32
      %swap3A_551 = arith.index_cast %add3A_550 : i32 to index
      %swap3A_552 = arith.constant 16 : index
      %swap3A_553 = tpu.vector_load %arg10[%swap3A_551, %swap3A_552] {strides = array<i32>} : memref<256x128xf32, #tpu.memory_space<vmem>>, vector<1x16xf32>,
      %swap3A_554 = vector.shape_cast %swap3A_553 : vector<1x16xf32> to vector<16xf32>
      %swap3A_555 = vector.shape_cast %select_n3A_548 : vector<16xf32> to vector<1x16xf32>
      tpu.vector_store %arg10[%swap3A_551, %swap3A_552], %swap3A_555 {strides = array<i32>} : memref<256x128xf32, #tpu.memory_space<vmem>>, vector<1x16xf32>,
      %select_n3A_556 = arith.select %lt3A_539, %get3A_149, %get3A_189 : vector<16xi1>, vector<16xf32>
      %add3A_557 = arith.constant 3 : i32
      %add3A_558 = arith.addi %mul3A_327, %add3A_557 : i32
      %swap3A_559 = arith.index_cast %add3A_558 : i32 to index
      %swap3A_560 = arith.constant 32 : index
      %swap3A_561 = tpu.vector_load %arg10[%swap3A_559, %swap3A_560] {strides = array<i32>} : memref<256x128xf32, #tpu.memory_space<vmem>>, vector<1x16xf32>,
      %swap3A_562 = vector.shape_cast %swap3A_561 : vector<1x16xf32> to vector<16xf32>
      %swap3A_563 = vector.shape_cast %select_n3A_556 : vector<16xf32> to vector<1x16xf32>
      tpu.vector_store %arg10[%swap3A_559, %swap3A_560], %swap3A_563 {strides = array<i32>} : memref<256x128xf32, #tpu.memory_space<vmem>>, vector<1x16xf32>,
      %select_n3A_564 = arith.select %lt3A_539, %get3A_154, %get3A_194 : vector<16xi1>, vector<16xf32>
      %add3A_565 = arith.constant 3 : i32
      %add3A_566 = arith.addi %mul3A_327, %add3A_565 : i32
      %swap3A_567 = arith.index_cast %add3A_566 : i32 to index
      %swap3A_568 = arith.constant 48 : index
      %swap3A_569 = tpu.vector_load %arg10[%swap3A_567, %swap3A_568] {strides = array<i32>} : memref<256x128xf32, #tpu.memory_space<vmem>>, vector<1x16xf32>,
      %swap3A_570 = vector.shape_cast %swap3A_569 : vector<1x16xf32> to vector<16xf32>
      %swap3A_571 = vector.shape_cast %select_n3A_564 : vector<16xf32> to vector<1x16xf32>
      tpu.vector_store %arg10[%swap3A_567, %swap3A_568], %swap3A_571 {strides = array<i32>} : memref<256x128xf32, #tpu.memory_space<vmem>>, vector<1x16xf32>,
      %select_n3A_572 = arith.select %lt3A_539, %get3A_159, %get3A_199 : vector<16xi1>, vector<16xf32>
      %add3A_573 = arith.constant 3 : i32
      %add3A_574 = arith.addi %mul3A_327, %add3A_573 : i32
      %swap3A_575 = arith.index_cast %add3A_574 : i32 to index
      %swap3A_576 = arith.constant 64 : index
      %swap3A_577 = tpu.vector_load %arg10[%swap3A_575, %swap3A_576] {strides = array<i32>} : memref<256x128xf32, #tpu.memory_space<vmem>>, vector<1x16xf32>,
      %swap3A_578 = vector.shape_cast %swap3A_577 : vector<1x16xf32> to vector<16xf32>
      %swap3A_579 = vector.shape_cast %select_n3A_572 : vector<16xf32> to vector<1x16xf32>
      tpu.vector_store %arg10[%swap3A_575, %swap3A_576], %swap3A_579 {strides = array<i32>} : memref<256x128xf32, #tpu.memory_space<vmem>>, vector<1x16xf32>,
      %select_n3A_580 = arith.select %lt3A_539, %get3A_164, %get3A_204 : vector<16xi1>, vector<16xf32>
      %add3A_581 = arith.constant 3 : i32
      %add3A_582 = arith.addi %mul3A_327, %add3A_581 : i32
      %swap3A_583 = arith.index_cast %add3A_582 : i32 to index
      %swap3A_584 = arith.constant 80 : index
      %swap3A_585 = tpu.vector_load %arg10[%swap3A_583, %swap3A_584] {strides = array<i32>} : memref<256x128xf32, #tpu.memory_space<vmem>>, vector<1x16xf32>,
      %swap3A_586 = vector.shape_cast %swap3A_585 : vector<1x16xf32> to vector<16xf32>
      %swap3A_587 = vector.shape_cast %select_n3A_580 : vector<16xf32> to vector<1x16xf32>
      tpu.vector_store %arg10[%swap3A_583, %swap3A_584], %swap3A_587 {strides = array<i32>} : memref<256x128xf32, #tpu.memory_space<vmem>>, vector<1x16xf32>,
      %select_n3A_588 = arith.select %lt3A_539, %get3A_169, %get3A_209 : vector<16xi1>, vector<16xf32>
      %add3A_589 = arith.constant 3 : i32
      %add3A_590 = arith.addi %mul3A_327, %add3A_589 : i32
      %swap3A_591 = arith.index_cast %add3A_590 : i32 to index
      %swap3A_592 = arith.constant 96 : index
      %swap3A_593 = tpu.vector_load %arg10[%swap3A_591, %swap3A_592] {strides = array<i32>} : memref<256x128xf32, #tpu.memory_space<vmem>>, vector<1x16xf32>,
      %swap3A_594 = vector.shape_cast %swap3A_593 : vector<1x16xf32> to vector<16xf32>
      %swap3A_595 = vector.shape_cast %select_n3A_588 : vector<16xf32> to vector<1x16xf32>
      tpu.vector_store %arg10[%swap3A_591, %swap3A_592], %swap3A_595 {strides = array<i32>} : memref<256x128xf32, #tpu.memory_space<vmem>>, vector<1x16xf32>,
      %select_n3A_596 = arith.select %lt3A_539, %get3A_174, %get3A_214 : vector<16xi1>, vector<16xf32>
      %add3A_597 = arith.constant 3 : i32
      %add3A_598 = arith.addi %mul3A_327, %add3A_597 : i32
      %swap3A_599 = arith.index_cast %add3A_598 : i32 to index
      %swap3A_600 = arith.constant 112 : index
      %swap3A_601 = tpu.vector_load %arg10[%swap3A_599, %swap3A_600] {strides = array<i32>} : memref<256x128xf32, #tpu.memory_space<vmem>>, vector<1x16xf32>,
      %swap3A_602 = vector.shape_cast %swap3A_601 : vector<1x16xf32> to vector<16xf32>
      %swap3A_603 = vector.shape_cast %select_n3A_596 : vector<16xf32> to vector<1x16xf32>
      tpu.vector_store %arg10[%swap3A_599, %swap3A_600], %swap3A_603 {strides = array<i32>} : memref<256x128xf32, #tpu.memory_space<vmem>>, vector<1x16xf32>,
    }
    %scan3A_237 = arith.constant 16 : i32
    %add3A_238 = arith.constant 64 : i32
    %add3A_239 = arith.addi %mul3A_134, %add3A_238 : i32
    %dma_start3A_240 = arith.constant 64 : i32
    %dma_start3A_241 = arith.constant 0 : i32
    %dma_start3A_242 = tpu.memref_slice %arg10[%dma_start3A_240, %dma_start3A_241] : memref<256x128xf32, #tpu.memory_space<vmem>> -> memref<64x128xf32, #tpu.memory_space<vmem>>
    %dma_start3A_243 = arith.constant 0 : i32
    %dma_start3A_244 = tpu.memref_slice %arg4[%add3A_239, %dma_start3A_243] : memref<8192x128xf32, #tpu.memory_space<hbm>> -> memref<64x128xf32, #tpu.memory_space<hbm>>
    %dma_start3A_245 = arith.constant 0 : i32
    %dma_start3A_246 = tpu.memref_slice %arg4[%add3A_239, %dma_start3A_245] : memref<8192x128xf32, #tpu.memory_space<hbm>> -> memref<64x128xf32, #tpu.memory_space<hbm>>
    %dma_start3A_247 = arith.constant 64 : i32
    %dma_start3A_248 = arith.constant 0 : i32
    %dma_start3A_249 = tpu.memref_slice %arg10[%dma_start3A_247, %dma_start3A_248] : memref<256x128xf32, #tpu.memory_space<vmem>> -> memref<64x128xf32, #tpu.memory_space<vmem>>
    tpu.enqueue_dma source(%dma_start3A_249 : memref<64x128xf32, #tpu.memory_space<vmem>>) target(%dma_start3A_246 : memref<64x128xf32, #tpu.memory_space<hbm>>) target_semaphore(%arg11 : memref<!tpu.dma_semaphore, #tpu.memory_space<semaphore_mem>>)
    %scan3A_250 = arith.constant 0 : i32
    %scan3A_251 = arith.constant 32 : i32
    %scan3A_252 = arith.constant 16 : i32
    %scan3A_253 = arith.addi %scan3A_251, %scan3A_252 : i32
    %scan3A_254 = arith.constant 1 : i32
    scf.for %scan3A_325 = %scan3A_251 to %scan3A_253 step %scan3A_254  : i32 {
      %mul3A_326 = arith.constant 4 : i32
      %mul3A_327 = arith.muli %scan3A_325, %mul3A_326 : i32
      %add3A_328 = arith.addi %mul3A_134, %mul3A_327 : i32
      %add3A_329 = arith.constant 0 : i32
      %add3A_330 = arith.addi %add3A_328, %add3A_329 : i32
      %broadcast_in_dim3A_331 = vector.broadcast %add3A_330 : i32 to vector<16xi32>
      %lt3A_332 = arith.cmpi slt, %broadcast_in_dim3A_331, %select_n3A_132 : vector<16xi32>
      %select_n3A_333 = arith.select %lt3A_332, %get3A_139, %get3A_179 : vector<16xi1>, vector<16xf32>
      %add3A_334 = arith.constant 0 : i32
      %add3A_335 = arith.addi %mul3A_327, %add3A_334 : i32
      %swap3A_336 = arith.index_cast %add3A_335 : i32 to index
      %swap3A_337 = arith.constant 0 : index
      %swap3A_338 = tpu.vector_load %arg10[%swap3A_336, %swap3A_337] {strides = array<i32>} : memref<256x128xf32, #tpu.memory_space<vmem>>, vector<1x16xf32>,
      %swap3A_339 = vector.shape_cast %swap3A_338 : vector<1x16xf32> to vector<16xf32>
      %swap3A_340 = vector.shape_cast %select_n3A_333 : vector<16xf32> to vector<1x16xf32>
      tpu.vector_store %arg10[%swap3A_336, %swap3A_337], %swap3A_340 {strides = array<i32>} : memref<256x128xf32, #tpu.memory_space<vmem>>, vector<1x16xf32>,
      %select_n3A_341 = arith.select %lt3A_332, %get3A_144, %get3A_184 : vector<16xi1>, vector<16xf32>
      %add3A_342 = arith.constant 0 : i32
      %add3A_343 = arith.addi %mul3A_327, %add3A_342 : i32
      %swap3A_344 = arith.index_cast %add3A_343 : i32 to index
      %swap3A_345 = arith.constant 16 : index
      %swap3A_346 = tpu.vector_load %arg10[%swap3A_344, %swap3A_345] {strides = array<i32>} : memref<256x128xf32, #tpu.memory_space<vmem>>, vector<1x16xf32>,
      %swap3A_347 = vector.shape_cast %swap3A_346 : vector<1x16xf32> to vector<16xf32>
      %swap3A_348 = vector.shape_cast %select_n3A_341 : vector<16xf32> to vector<1x16xf32>
      tpu.vector_store %arg10[%swap3A_344, %swap3A_345], %swap3A_348 {strides = array<i32>} : memref<256x128xf32, #tpu.memory_space<vmem>>, vector<1x16xf32>,
      %select_n3A_349 = arith.select %lt3A_332, %get3A_149, %get3A_189 : vector<16xi1>, vector<16xf32>
      %add3A_350 = arith.constant 0 : i32
      %add3A_351 = arith.addi %mul3A_327, %add3A_350 : i32
      %swap3A_352 = arith.index_cast %add3A_351 : i32 to index
      %swap3A_353 = arith.constant 32 : index
      %swap3A_354 = tpu.vector_load %arg10[%swap3A_352, %swap3A_353] {strides = array<i32>} : memref<256x128xf32, #tpu.memory_space<vmem>>, vector<1x16xf32>,
      %swap3A_355 = vector.shape_cast %swap3A_354 : vector<1x16xf32> to vector<16xf32>
      %swap3A_356 = vector.shape_cast %select_n3A_349 : vector<16xf32> to vector<1x16xf32>
      tpu.vector_store %arg10[%swap3A_352, %swap3A_353], %swap3A_356 {strides = array<i32>} : memref<256x128xf32, #tpu.memory_space<vmem>>, vector<1x16xf32>,
      %select_n3A_357 = arith.select %lt3A_332, %get3A_154, %get3A_194 : vector<16xi1>, vector<16xf32>
      %add3A_358 = arith.constant 0 : i32
      %add3A_359 = arith.addi %mul3A_327, %add3A_358 : i32
      %swap3A_360 = arith.index_cast %add3A_359 : i32 to index
      %swap3A_361 = arith.constant 48 : index
      %swap3A_362 = tpu.vector_load %arg10[%swap3A_360, %swap3A_361] {strides = array<i32>} : memref<256x128xf32, #tpu.memory_space<vmem>>, vector<1x16xf32>,
      %swap3A_363 = vector.shape_cast %swap3A_362 : vector<1x16xf32> to vector<16xf32>
      %swap3A_364 = vector.shape_cast %select_n3A_357 : vector<16xf32> to vector<1x16xf32>
      tpu.vector_store %arg10[%swap3A_360, %swap3A_361], %swap3A_364 {strides = array<i32>} : memref<256x128xf32, #tpu.memory_space<vmem>>, vector<1x16xf32>,
      %select_n3A_365 = arith.select %lt3A_332, %get3A_159, %get3A_199 : vector<16xi1>, vector<16xf32>
      %add3A_366 = arith.constant 0 : i32
      %add3A_367 = arith.addi %mul3A_327, %add3A_366 : i32
      %swap3A_368 = arith.index_cast %add3A_367 : i32 to index
      %swap3A_369 = arith.constant 64 : index
      %swap3A_370 = tpu.vector_load %arg10[%swap3A_368, %swap3A_369] {strides = array<i32>} : memref<256x128xf32, #tpu.memory_space<vmem>>, vector<1x16xf32>,
      %swap3A_371 = vector.shape_cast %swap3A_370 : vector<1x16xf32> to vector<16xf32>
      %swap3A_372 = vector.shape_cast %select_n3A_365 : vector<16xf32> to vector<1x16xf32>
      tpu.vector_store %arg10[%swap3A_368, %swap3A_369], %swap3A_372 {strides = array<i32>} : memref<256x128xf32, #tpu.memory_space<vmem>>, vector<1x16xf32>,
      %select_n3A_373 = arith.select %lt3A_332, %get3A_164, %get3A_204 : vector<16xi1>, vector<16xf32>
      %add3A_374 = arith.constant 0 : i32
      %add3A_375 = arith.addi %mul3A_327, %add3A_374 : i32
      %swap3A_376 = arith.index_cast %add3A_375 : i32 to index
      %swap3A_377 = arith.constant 80 : index
      %swap3A_378 = tpu.vector_load %arg10[%swap3A_376, %swap3A_377] {strides = array<i32>} : memref<256x128xf32, #tpu.memory_space<vmem>>, vector<1x16xf32>,
      %swap3A_379 = vector.shape_cast %swap3A_378 : vector<1x16xf32> to vector<16xf32>
      %swap3A_380 = vector.shape_cast %select_n3A_373 : vector<16xf32> to vector<1x16xf32>
      tpu.vector_store %arg10[%swap3A_376, %swap3A_377], %swap3A_380 {strides = array<i32>} : memref<256x128xf32, #tpu.memory_space<vmem>>, vector<1x16xf32>,
      %select_n3A_381 = arith.select %lt3A_332, %get3A_169, %get3A_209 : vector<16xi1>, vector<16xf32>
      %add3A_382 = arith.constant 0 : i32
      %add3A_383 = arith.addi %mul3A_327, %add3A_382 : i32
      %swap3A_384 = arith.index_cast %add3A_383 : i32 to index
      %swap3A_385 = arith.constant 96 : index
      %swap3A_386 = tpu.vector_load %arg10[%swap3A_384, %swap3A_385] {strides = array<i32>} : memref<256x128xf32, #tpu.memory_space<vmem>>, vector<1x16xf32>,
      %swap3A_387 = vector.shape_cast %swap3A_386 : vector<1x16xf32> to vector<16xf32>
      %swap3A_388 = vector.shape_cast %select_n3A_381 : vector<16xf32> to vector<1x16xf32>
      tpu.vector_store %arg10[%swap3A_384, %swap3A_385], %swap3A_388 {strides = array<i32>} : memref<256x128xf32, #tpu.memory_space<vmem>>, vector<1x16xf32>,
      %select_n3A_389 = arith.select %lt3A_332, %get3A_174, %get3A_214 : vector<16xi1>, vector<16xf32>
      %add3A_390 = arith.constant 0 : i32
      %add3A_391 = arith.addi %mul3A_327, %add3A_390 : i32
      %swap3A_392 = arith.index_cast %add3A_391 : i32 to index
      %swap3A_393 = arith.constant 112 : index
      %swap3A_394 = tpu.vector_load %arg10[%swap3A_392, %swap3A_393] {strides = array<i32>} : memref<256x128xf32, #tpu.memory_space<vmem>>, vector<1x16xf32>,
      %swap3A_395 = vector.shape_cast %swap3A_394 : vector<1x16xf32> to vector<16xf32>
      %swap3A_396 = vector.shape_cast %select_n3A_389 : vector<16xf32> to vector<1x16xf32>
      tpu.vector_store %arg10[%swap3A_392, %swap3A_393], %swap3A_396 {strides = array<i32>} : memref<256x128xf32, #tpu.memory_space<vmem>>, vector<1x16xf32>,
      %add3A_397 = arith.addi %mul3A_134, %mul3A_327 : i32
      %add3A_398 = arith.constant 1 : i32
      %add3A_399 = arith.addi %add3A_397, %add3A_398 : i32
      %broadcast_in_dim3A_400 = vector.broadcast %add3A_399 : i32 to vector<16xi32>
      %lt3A_401 = arith.cmpi slt, %broadcast_in_dim3A_400, %select_n3A_132 : vector<16xi32>
      %select_n3A_402 = arith.select %lt3A_401, %get3A_139, %get3A_179 : vector<16xi1>, vector<16xf32>
      %add3A_403 = arith.constant 1 : i32
      %add3A_404 = arith.addi %mul3A_327, %add3A_403 : i32
      %swap3A_405 = arith.index_cast %add3A_404 : i32 to index
      %swap3A_406 = arith.constant 0 : index
      %swap3A_407 = tpu.vector_load %arg10[%swap3A_405, %swap3A_406] {strides = array<i32>} : memref<256x128xf32, #tpu.memory_space<vmem>>, vector<1x16xf32>,
      %swap3A_408 = vector.shape_cast %swap3A_407 : vector<1x16xf32> to vector<16xf32>
      %swap3A_409 = vector.shape_cast %select_n3A_402 : vector<16xf32> to vector<1x16xf32>
      tpu.vector_store %arg10[%swap3A_405, %swap3A_406], %swap3A_409 {strides = array<i32>} : memref<256x128xf32, #tpu.memory_space<vmem>>, vector<1x16xf32>,
      %select_n3A_410 = arith.select %lt3A_401, %get3A_144, %get3A_184 : vector<16xi1>, vector<16xf32>
      %add3A_411 = arith.constant 1 : i32
      %add3A_412 = arith.addi %mul3A_327, %add3A_411 : i32
      %swap3A_413 = arith.index_cast %add3A_412 : i32 to index
      %swap3A_414 = arith.constant 16 : index
      %swap3A_415 = tpu.vector_load %arg10[%swap3A_413, %swap3A_414] {strides = array<i32>} : memref<256x128xf32, #tpu.memory_space<vmem>>, vector<1x16xf32>,
      %swap3A_416 = vector.shape_cast %swap3A_415 : vector<1x16xf32> to vector<16xf32>
      %swap3A_417 = vector.shape_cast %select_n3A_410 : vector<16xf32> to vector<1x16xf32>
      tpu.vector_store %arg10[%swap3A_413, %swap3A_414], %swap3A_417 {strides = array<i32>} : memref<256x128xf32, #tpu.memory_space<vmem>>, vector<1x16xf32>,
      %select_n3A_418 = arith.select %lt3A_401, %get3A_149, %get3A_189 : vector<16xi1>, vector<16xf32>
      %add3A_419 = arith.constant 1 : i32
      %add3A_420 = arith.addi %mul3A_327, %add3A_419 : i32
      %swap3A_421 = arith.index_cast %add3A_420 : i32 to index
      %swap3A_422 = arith.constant 32 : index
      %swap3A_423 = tpu.vector_load %arg10[%swap3A_421, %swap3A_422] {strides = array<i32>} : memref<256x128xf32, #tpu.memory_space<vmem>>, vector<1x16xf32>,
      %swap3A_424 = vector.shape_cast %swap3A_423 : vector<1x16xf32> to vector<16xf32>
      %swap3A_425 = vector.shape_cast %select_n3A_418 : vector<16xf32> to vector<1x16xf32>
      tpu.vector_store %arg10[%swap3A_421, %swap3A_422], %swap3A_425 {strides = array<i32>} : memref<256x128xf32, #tpu.memory_space<vmem>>, vector<1x16xf32>,
      %select_n3A_426 = arith.select %lt3A_401, %get3A_154, %get3A_194 : vector<16xi1>, vector<16xf32>
      %add3A_427 = arith.constant 1 : i32
      %add3A_428 = arith.addi %mul3A_327, %add3A_427 : i32
      %swap3A_429 = arith.index_cast %add3A_428 : i32 to index
      %swap3A_430 = arith.constant 48 : index
      %swap3A_431 = tpu.vector_load %arg10[%swap3A_429, %swap3A_430] {strides = array<i32>} : memref<256x128xf32, #tpu.memory_space<vmem>>, vector<1x16xf32>,
      %swap3A_432 = vector.shape_cast %swap3A_431 : vector<1x16xf32> to vector<16xf32>
      %swap3A_433 = vector.shape_cast %select_n3A_426 : vector<16xf32> to vector<1x16xf32>
      tpu.vector_store %arg10[%swap3A_429, %swap3A_430], %swap3A_433 {strides = array<i32>} : memref<256x128xf32, #tpu.memory_space<vmem>>, vector<1x16xf32>,
      %select_n3A_434 = arith.select %lt3A_401, %get3A_159, %get3A_199 : vector<16xi1>, vector<16xf32>
      %add3A_435 = arith.constant 1 : i32
      %add3A_436 = arith.addi %mul3A_327, %add3A_435 : i32
      %swap3A_437 = arith.index_cast %add3A_436 : i32 to index
      %swap3A_438 = arith.constant 64 : index
      %swap3A_439 = tpu.vector_load %arg10[%swap3A_437, %swap3A_438] {strides = array<i32>} : memref<256x128xf32, #tpu.memory_space<vmem>>, vector<1x16xf32>,
      %swap3A_440 = vector.shape_cast %swap3A_439 : vector<1x16xf32> to vector<16xf32>
      %swap3A_441 = vector.shape_cast %select_n3A_434 : vector<16xf32> to vector<1x16xf32>
      tpu.vector_store %arg10[%swap3A_437, %swap3A_438], %swap3A_441 {strides = array<i32>} : memref<256x128xf32, #tpu.memory_space<vmem>>, vector<1x16xf32>,
      %select_n3A_442 = arith.select %lt3A_401, %get3A_164, %get3A_204 : vector<16xi1>, vector<16xf32>
      %add3A_443 = arith.constant 1 : i32
      %add3A_444 = arith.addi %mul3A_327, %add3A_443 : i32
      %swap3A_445 = arith.index_cast %add3A_444 : i32 to index
      %swap3A_446 = arith.constant 80 : index
      %swap3A_447 = tpu.vector_load %arg10[%swap3A_445, %swap3A_446] {strides = array<i32>} : memref<256x128xf32, #tpu.memory_space<vmem>>, vector<1x16xf32>,
      %swap3A_448 = vector.shape_cast %swap3A_447 : vector<1x16xf32> to vector<16xf32>
      %swap3A_449 = vector.shape_cast %select_n3A_442 : vector<16xf32> to vector<1x16xf32>
      tpu.vector_store %arg10[%swap3A_445, %swap3A_446], %swap3A_449 {strides = array<i32>} : memref<256x128xf32, #tpu.memory_space<vmem>>, vector<1x16xf32>,
      %select_n3A_450 = arith.select %lt3A_401, %get3A_169, %get3A_209 : vector<16xi1>, vector<16xf32>
      %add3A_451 = arith.constant 1 : i32
      %add3A_452 = arith.addi %mul3A_327, %add3A_451 : i32
      %swap3A_453 = arith.index_cast %add3A_452 : i32 to index
      %swap3A_454 = arith.constant 96 : index
      %swap3A_455 = tpu.vector_load %arg10[%swap3A_453, %swap3A_454] {strides = array<i32>} : memref<256x128xf32, #tpu.memory_space<vmem>>, vector<1x16xf32>,
      %swap3A_456 = vector.shape_cast %swap3A_455 : vector<1x16xf32> to vector<16xf32>
      %swap3A_457 = vector.shape_cast %select_n3A_450 : vector<16xf32> to vector<1x16xf32>
      tpu.vector_store %arg10[%swap3A_453, %swap3A_454], %swap3A_457 {strides = array<i32>} : memref<256x128xf32, #tpu.memory_space<vmem>>, vector<1x16xf32>,
      %select_n3A_458 = arith.select %lt3A_401, %get3A_174, %get3A_214 : vector<16xi1>, vector<16xf32>
      %add3A_459 = arith.constant 1 : i32
      %add3A_460 = arith.addi %mul3A_327, %add3A_459 : i32
      %swap3A_461 = arith.index_cast %add3A_460 : i32 to index
      %swap3A_462 = arith.constant 112 : index
      %swap3A_463 = tpu.vector_load %arg10[%swap3A_461, %swap3A_462] {strides = array<i32>} : memref<256x128xf32, #tpu.memory_space<vmem>>, vector<1x16xf32>,
      %swap3A_464 = vector.shape_cast %swap3A_463 : vector<1x16xf32> to vector<16xf32>
      %swap3A_465 = vector.shape_cast %select_n3A_458 : vector<16xf32> to vector<1x16xf32>
      tpu.vector_store %arg10[%swap3A_461, %swap3A_462], %swap3A_465 {strides = array<i32>} : memref<256x128xf32, #tpu.memory_space<vmem>>, vector<1x16xf32>,
      %add3A_466 = arith.addi %mul3A_134, %mul3A_327 : i32
      %add3A_467 = arith.constant 2 : i32
      %add3A_468 = arith.addi %add3A_466, %add3A_467 : i32
      %broadcast_in_dim3A_469 = vector.broadcast %add3A_468 : i32 to vector<16xi32>
      %lt3A_470 = arith.cmpi slt, %broadcast_in_dim3A_469, %select_n3A_132 : vector<16xi32>
      %select_n3A_471 = arith.select %lt3A_470, %get3A_139, %get3A_179 : vector<16xi1>, vector<16xf32>
      %add3A_472 = arith.constant 2 : i32
      %add3A_473 = arith.addi %mul3A_327, %add3A_472 : i32
      %swap3A_474 = arith.index_cast %add3A_473 : i32 to index
      %swap3A_475 = arith.constant 0 : index
      %swap3A_476 = tpu.vector_load %arg10[%swap3A_474, %swap3A_475] {strides = array<i32>} : memref<256x128xf32, #tpu.memory_space<vmem>>, vector<1x16xf32>,
      %swap3A_477 = vector.shape_cast %swap3A_476 : vector<1x16xf32> to vector<16xf32>
      %swap3A_478 = vector.shape_cast %select_n3A_471 : vector<16xf32> to vector<1x16xf32>
      tpu.vector_store %arg10[%swap3A_474, %swap3A_475], %swap3A_478 {strides = array<i32>} : memref<256x128xf32, #tpu.memory_space<vmem>>, vector<1x16xf32>,
      %select_n3A_479 = arith.select %lt3A_470, %get3A_144, %get3A_184 : vector<16xi1>, vector<16xf32>
      %add3A_480 = arith.constant 2 : i32
      %add3A_481 = arith.addi %mul3A_327, %add3A_480 : i32
      %swap3A_482 = arith.index_cast %add3A_481 : i32 to index
      %swap3A_483 = arith.constant 16 : index
      %swap3A_484 = tpu.vector_load %arg10[%swap3A_482, %swap3A_483] {strides = array<i32>} : memref<256x128xf32, #tpu.memory_space<vmem>>, vector<1x16xf32>,
      %swap3A_485 = vector.shape_cast %swap3A_484 : vector<1x16xf32> to vector<16xf32>
      %swap3A_486 = vector.shape_cast %select_n3A_479 : vector<16xf32> to vector<1x16xf32>
      tpu.vector_store %arg10[%swap3A_482, %swap3A_483], %swap3A_486 {strides = array<i32>} : memref<256x128xf32, #tpu.memory_space<vmem>>, vector<1x16xf32>,
      %select_n3A_487 = arith.select %lt3A_470, %get3A_149, %get3A_189 : vector<16xi1>, vector<16xf32>
      %add3A_488 = arith.constant 2 : i32
      %add3A_489 = arith.addi %mul3A_327, %add3A_488 : i32
      %swap3A_490 = arith.index_cast %add3A_489 : i32 to index
      %swap3A_491 = arith.constant 32 : index
      %swap3A_492 = tpu.vector_load %arg10[%swap3A_490, %swap3A_491] {strides = array<i32>} : memref<256x128xf32, #tpu.memory_space<vmem>>, vector<1x16xf32>,
      %swap3A_493 = vector.shape_cast %swap3A_492 : vector<1x16xf32> to vector<16xf32>
      %swap3A_494 = vector.shape_cast %select_n3A_487 : vector<16xf32> to vector<1x16xf32>
      tpu.vector_store %arg10[%swap3A_490, %swap3A_491], %swap3A_494 {strides = array<i32>} : memref<256x128xf32, #tpu.memory_space<vmem>>, vector<1x16xf32>,
      %select_n3A_495 = arith.select %lt3A_470, %get3A_154, %get3A_194 : vector<16xi1>, vector<16xf32>
      %add3A_496 = arith.constant 2 : i32
      %add3A_497 = arith.addi %mul3A_327, %add3A_496 : i32
      %swap3A_498 = arith.index_cast %add3A_497 : i32 to index
      %swap3A_499 = arith.constant 48 : index
      %swap3A_500 = tpu.vector_load %arg10[%swap3A_498, %swap3A_499] {strides = array<i32>} : memref<256x128xf32, #tpu.memory_space<vmem>>, vector<1x16xf32>,
      %swap3A_501 = vector.shape_cast %swap3A_500 : vector<1x16xf32> to vector<16xf32>
      %swap3A_502 = vector.shape_cast %select_n3A_495 : vector<16xf32> to vector<1x16xf32>
      tpu.vector_store %arg10[%swap3A_498, %swap3A_499], %swap3A_502 {strides = array<i32>} : memref<256x128xf32, #tpu.memory_space<vmem>>, vector<1x16xf32>,
      %select_n3A_503 = arith.select %lt3A_470, %get3A_159, %get3A_199 : vector<16xi1>, vector<16xf32>
      %add3A_504 = arith.constant 2 : i32
      %add3A_505 = arith.addi %mul3A_327, %add3A_504 : i32
      %swap3A_506 = arith.index_cast %add3A_505 : i32 to index
      %swap3A_507 = arith.constant 64 : index
      %swap3A_508 = tpu.vector_load %arg10[%swap3A_506, %swap3A_507] {strides = array<i32>} : memref<256x128xf32, #tpu.memory_space<vmem>>, vector<1x16xf32>,
      %swap3A_509 = vector.shape_cast %swap3A_508 : vector<1x16xf32> to vector<16xf32>
      %swap3A_510 = vector.shape_cast %select_n3A_503 : vector<16xf32> to vector<1x16xf32>
      tpu.vector_store %arg10[%swap3A_506, %swap3A_507], %swap3A_510 {strides = array<i32>} : memref<256x128xf32, #tpu.memory_space<vmem>>, vector<1x16xf32>,
      %select_n3A_511 = arith.select %lt3A_470, %get3A_164, %get3A_204 : vector<16xi1>, vector<16xf32>
      %add3A_512 = arith.constant 2 : i32
      %add3A_513 = arith.addi %mul3A_327, %add3A_512 : i32
      %swap3A_514 = arith.index_cast %add3A_513 : i32 to index
      %swap3A_515 = arith.constant 80 : index
      %swap3A_516 = tpu.vector_load %arg10[%swap3A_514, %swap3A_515] {strides = array<i32>} : memref<256x128xf32, #tpu.memory_space<vmem>>, vector<1x16xf32>,
      %swap3A_517 = vector.shape_cast %swap3A_516 : vector<1x16xf32> to vector<16xf32>
      %swap3A_518 = vector.shape_cast %select_n3A_511 : vector<16xf32> to vector<1x16xf32>
      tpu.vector_store %arg10[%swap3A_514, %swap3A_515], %swap3A_518 {strides = array<i32>} : memref<256x128xf32, #tpu.memory_space<vmem>>, vector<1x16xf32>,
      %select_n3A_519 = arith.select %lt3A_470, %get3A_169, %get3A_209 : vector<16xi1>, vector<16xf32>
      %add3A_520 = arith.constant 2 : i32
      %add3A_521 = arith.addi %mul3A_327, %add3A_520 : i32
      %swap3A_522 = arith.index_cast %add3A_521 : i32 to index
      %swap3A_523 = arith.constant 96 : index
      %swap3A_524 = tpu.vector_load %arg10[%swap3A_522, %swap3A_523] {strides = array<i32>} : memref<256x128xf32, #tpu.memory_space<vmem>>, vector<1x16xf32>,
      %swap3A_525 = vector.shape_cast %swap3A_524 : vector<1x16xf32> to vector<16xf32>
      %swap3A_526 = vector.shape_cast %select_n3A_519 : vector<16xf32> to vector<1x16xf32>
      tpu.vector_store %arg10[%swap3A_522, %swap3A_523], %swap3A_526 {strides = array<i32>} : memref<256x128xf32, #tpu.memory_space<vmem>>, vector<1x16xf32>,
      %select_n3A_527 = arith.select %lt3A_470, %get3A_174, %get3A_214 : vector<16xi1>, vector<16xf32>
      %add3A_528 = arith.constant 2 : i32
      %add3A_529 = arith.addi %mul3A_327, %add3A_528 : i32
      %swap3A_530 = arith.index_cast %add3A_529 : i32 to index
      %swap3A_531 = arith.constant 112 : index
      %swap3A_532 = tpu.vector_load %arg10[%swap3A_530, %swap3A_531] {strides = array<i32>} : memref<256x128xf32, #tpu.memory_space<vmem>>, vector<1x16xf32>,
      %swap3A_533 = vector.shape_cast %swap3A_532 : vector<1x16xf32> to vector<16xf32>
      %swap3A_534 = vector.shape_cast %select_n3A_527 : vector<16xf32> to vector<1x16xf32>
      tpu.vector_store %arg10[%swap3A_530, %swap3A_531], %swap3A_534 {strides = array<i32>} : memref<256x128xf32, #tpu.memory_space<vmem>>, vector<1x16xf32>,
      %add3A_535 = arith.addi %mul3A_134, %mul3A_327 : i32
      %add3A_536 = arith.constant 3 : i32
      %add3A_537 = arith.addi %add3A_535, %add3A_536 : i32
      %broadcast_in_dim3A_538 = vector.broadcast %add3A_537 : i32 to vector<16xi32>
      %lt3A_539 = arith.cmpi slt, %broadcast_in_dim3A_538, %select_n3A_132 : vector<16xi32>
      %select_n3A_540 = arith.select %lt3A_539, %get3A_139, %get3A_179 : vector<16xi1>, vector<16xf32>
      %add3A_541 = arith.constant 3 : i32
      %add3A_542 = arith.addi %mul3A_327, %add3A_541 : i32
      %swap3A_543 = arith.index_cast %add3A_542 : i32 to index
      %swap3A_544 = arith.constant 0 : index
      %swap3A_545 = tpu.vector_load %arg10[%swap3A_543, %swap3A_544] {strides = array<i32>} : memref<256x128xf32, #tpu.memory_space<vmem>>, vector<1x16xf32>,
      %swap3A_546 = vector.shape_cast %swap3A_545 : vector<1x16xf32> to vector<16xf32>
      %swap3A_547 = vector.shape_cast %select_n3A_540 : vector<16xf32> to vector<1x16xf32>
      tpu.vector_store %arg10[%swap3A_543, %swap3A_544], %swap3A_547 {strides = array<i32>} : memref<256x128xf32, #tpu.memory_space<vmem>>, vector<1x16xf32>,
      %select_n3A_548 = arith.select %lt3A_539, %get3A_144, %get3A_184 : vector<16xi1>, vector<16xf32>
      %add3A_549 = arith.constant 3 : i32
      %add3A_550 = arith.addi %mul3A_327, %add3A_549 : i32
      %swap3A_551 = arith.index_cast %add3A_550 : i32 to index
      %swap3A_552 = arith.constant 16 : index
      %swap3A_553 = tpu.vector_load %arg10[%swap3A_551, %swap3A_552] {strides = array<i32>} : memref<256x128xf32, #tpu.memory_space<vmem>>, vector<1x16xf32>,
      %swap3A_554 = vector.shape_cast %swap3A_553 : vector<1x16xf32> to vector<16xf32>
      %swap3A_555 = vector.shape_cast %select_n3A_548 : vector<16xf32> to vector<1x16xf32>
      tpu.vector_store %arg10[%swap3A_551, %swap3A_552], %swap3A_555 {strides = array<i32>} : memref<256x128xf32, #tpu.memory_space<vmem>>, vector<1x16xf32>,
      %select_n3A_556 = arith.select %lt3A_539, %get3A_149, %get3A_189 : vector<16xi1>, vector<16xf32>
      %add3A_557 = arith.constant 3 : i32
      %add3A_558 = arith.addi %mul3A_327, %add3A_557 : i32
      %swap3A_559 = arith.index_cast %add3A_558 : i32 to index
      %swap3A_560 = arith.constant 32 : index
      %swap3A_561 = tpu.vector_load %arg10[%swap3A_559, %swap3A_560] {strides = array<i32>} : memref<256x128xf32, #tpu.memory_space<vmem>>, vector<1x16xf32>,
      %swap3A_562 = vector.shape_cast %swap3A_561 : vector<1x16xf32> to vector<16xf32>
      %swap3A_563 = vector.shape_cast %select_n3A_556 : vector<16xf32> to vector<1x16xf32>
      tpu.vector_store %arg10[%swap3A_559, %swap3A_560], %swap3A_563 {strides = array<i32>} : memref<256x128xf32, #tpu.memory_space<vmem>>, vector<1x16xf32>,
      %select_n3A_564 = arith.select %lt3A_539, %get3A_154, %get3A_194 : vector<16xi1>, vector<16xf32>
      %add3A_565 = arith.constant 3 : i32
      %add3A_566 = arith.addi %mul3A_327, %add3A_565 : i32
      %swap3A_567 = arith.index_cast %add3A_566 : i32 to index
      %swap3A_568 = arith.constant 48 : index
      %swap3A_569 = tpu.vector_load %arg10[%swap3A_567, %swap3A_568] {strides = array<i32>} : memref<256x128xf32, #tpu.memory_space<vmem>>, vector<1x16xf32>,
      %swap3A_570 = vector.shape_cast %swap3A_569 : vector<1x16xf32> to vector<16xf32>
      %swap3A_571 = vector.shape_cast %select_n3A_564 : vector<16xf32> to vector<1x16xf32>
      tpu.vector_store %arg10[%swap3A_567, %swap3A_568], %swap3A_571 {strides = array<i32>} : memref<256x128xf32, #tpu.memory_space<vmem>>, vector<1x16xf32>,
      %select_n3A_572 = arith.select %lt3A_539, %get3A_159, %get3A_199 : vector<16xi1>, vector<16xf32>
      %add3A_573 = arith.constant 3 : i32
      %add3A_574 = arith.addi %mul3A_327, %add3A_573 : i32
      %swap3A_575 = arith.index_cast %add3A_574 : i32 to index
      %swap3A_576 = arith.constant 64 : index
      %swap3A_577 = tpu.vector_load %arg10[%swap3A_575, %swap3A_576] {strides = array<i32>} : memref<256x128xf32, #tpu.memory_space<vmem>>, vector<1x16xf32>,
      %swap3A_578 = vector.shape_cast %swap3A_577 : vector<1x16xf32> to vector<16xf32>
      %swap3A_579 = vector.shape_cast %select_n3A_572 : vector<16xf32> to vector<1x16xf32>
      tpu.vector_store %arg10[%swap3A_575, %swap3A_576], %swap3A_579 {strides = array<i32>} : memref<256x128xf32, #tpu.memory_space<vmem>>, vector<1x16xf32>,
      %select_n3A_580 = arith.select %lt3A_539, %get3A_164, %get3A_204 : vector<16xi1>, vector<16xf32>
      %add3A_581 = arith.constant 3 : i32
      %add3A_582 = arith.addi %mul3A_327, %add3A_581 : i32
      %swap3A_583 = arith.index_cast %add3A_582 : i32 to index
      %swap3A_584 = arith.constant 80 : index
      %swap3A_585 = tpu.vector_load %arg10[%swap3A_583, %swap3A_584] {strides = array<i32>} : memref<256x128xf32, #tpu.memory_space<vmem>>, vector<1x16xf32>,
      %swap3A_586 = vector.shape_cast %swap3A_585 : vector<1x16xf32> to vector<16xf32>
      %swap3A_587 = vector.shape_cast %select_n3A_580 : vector<16xf32> to vector<1x16xf32>
      tpu.vector_store %arg10[%swap3A_583, %swap3A_584], %swap3A_587 {strides = array<i32>} : memref<256x128xf32, #tpu.memory_space<vmem>>, vector<1x16xf32>,
      %select_n3A_588 = arith.select %lt3A_539, %get3A_169, %get3A_209 : vector<16xi1>, vector<16xf32>
      %add3A_589 = arith.constant 3 : i32
      %add3A_590 = arith.addi %mul3A_327, %add3A_589 : i32
      %swap3A_591 = arith.index_cast %add3A_590 : i32 to index
      %swap3A_592 = arith.constant 96 : index
      %swap3A_593 = tpu.vector_load %arg10[%swap3A_591, %swap3A_592] {strides = array<i32>} : memref<256x128xf32, #tpu.memory_space<vmem>>, vector<1x16xf32>,
      %swap3A_594 = vector.shape_cast %swap3A_593 : vector<1x16xf32> to vector<16xf32>
      %swap3A_595 = vector.shape_cast %select_n3A_588 : vector<16xf32> to vector<1x16xf32>
      tpu.vector_store %arg10[%swap3A_591, %swap3A_592], %swap3A_595 {strides = array<i32>} : memref<256x128xf32, #tpu.memory_space<vmem>>, vector<1x16xf32>,
      %select_n3A_596 = arith.select %lt3A_539, %get3A_174, %get3A_214 : vector<16xi1>, vector<16xf32>
      %add3A_597 = arith.constant 3 : i32
      %add3A_598 = arith.addi %mul3A_327, %add3A_597 : i32
      %swap3A_599 = arith.index_cast %add3A_598 : i32 to index
      %swap3A_600 = arith.constant 112 : index
      %swap3A_601 = tpu.vector_load %arg10[%swap3A_599, %swap3A_600] {strides = array<i32>} : memref<256x128xf32, #tpu.memory_space<vmem>>, vector<1x16xf32>,
      %swap3A_602 = vector.shape_cast %swap3A_601 : vector<1x16xf32> to vector<16xf32>
      %swap3A_603 = vector.shape_cast %select_n3A_596 : vector<16xf32> to vector<1x16xf32>
      tpu.vector_store %arg10[%swap3A_599, %swap3A_600], %swap3A_603 {strides = array<i32>} : memref<256x128xf32, #tpu.memory_space<vmem>>, vector<1x16xf32>,
    }
    %scan3A_255 = arith.constant 16 : i32
    %add3A_256 = arith.constant 128 : i32
    %add3A_257 = arith.addi %mul3A_134, %add3A_256 : i32
    %dma_start3A_258 = arith.constant 128 : i32
    %dma_start3A_259 = arith.constant 0 : i32
    %dma_start3A_260 = tpu.memref_slice %arg10[%dma_start3A_258, %dma_start3A_259] : memref<256x128xf32, #tpu.memory_space<vmem>> -> memref<64x128xf32, #tpu.memory_space<vmem>>
    %dma_start3A_261 = arith.constant 0 : i32
    %dma_start3A_262 = tpu.memref_slice %arg4[%add3A_257, %dma_start3A_261] : memref<8192x128xf32, #tpu.memory_space<hbm>> -> memref<64x128xf32, #tpu.memory_space<hbm>>
    %dma_start3A_263 = arith.constant 0 : i32
    %dma_start3A_264 = tpu.memref_slice %arg4[%add3A_257, %dma_start3A_263] : memref<8192x128xf32, #tpu.memory_space<hbm>> -> memref<64x128xf32, #tpu.memory_space<hbm>>
    %dma_start3A_265 = arith.constant 128 : i32
    %dma_start3A_266 = arith.constant 0 : i32
    %dma_start3A_267 = tpu.memref_slice %arg10[%dma_start3A_265, %dma_start3A_266] : memref<256x128xf32, #tpu.memory_space<vmem>> -> memref<64x128xf32, #tpu.memory_space<vmem>>
    tpu.enqueue_dma source(%dma_start3A_267 : memref<64x128xf32, #tpu.memory_space<vmem>>) target(%dma_start3A_264 : memref<64x128xf32, #tpu.memory_space<hbm>>) target_semaphore(%arg11 : memref<!tpu.dma_semaphore, #tpu.memory_space<semaphore_mem>>)
    %scan3A_268 = arith.constant 0 : i32
    %scan3A_269 = arith.constant 48 : i32
    %scan3A_270 = arith.constant 16 : i32
    %scan3A_271 = arith.addi %scan3A_269, %scan3A_270 : i32
    %scan3A_272 = arith.constant 1 : i32
    scf.for %scan3A_325 = %scan3A_269 to %scan3A_271 step %scan3A_272  : i32 {
      %mul3A_326 = arith.constant 4 : i32
      %mul3A_327 = arith.muli %scan3A_325, %mul3A_326 : i32
      %add3A_328 = arith.addi %mul3A_134, %mul3A_327 : i32
      %add3A_329 = arith.constant 0 : i32
      %add3A_330 = arith.addi %add3A_328, %add3A_329 : i32
      %broadcast_in_dim3A_331 = vector.broadcast %add3A_330 : i32 to vector<16xi32>
      %lt3A_332 = arith.cmpi slt, %broadcast_in_dim3A_331, %select_n3A_132 : vector<16xi32>
      %select_n3A_333 = arith.select %lt3A_332, %get3A_139, %get3A_179 : vector<16xi1>, vector<16xf32>
      %add3A_334 = arith.constant 0 : i32
      %add3A_335 = arith.addi %mul3A_327, %add3A_334 : i32
      %swap3A_336 = arith.index_cast %add3A_335 : i32 to index
      %swap3A_337 = arith.constant 0 : index
      %swap3A_338 = tpu.vector_load %arg10[%swap3A_336, %swap3A_337] {strides = array<i32>} : memref<256x128xf32, #tpu.memory_space<vmem>>, vector<1x16xf32>,
      %swap3A_339 = vector.shape_cast %swap3A_338 : vector<1x16xf32> to vector<16xf32>
      %swap3A_340 = vector.shape_cast %select_n3A_333 : vector<16xf32> to vector<1x16xf32>
      tpu.vector_store %arg10[%swap3A_336, %swap3A_337], %swap3A_340 {strides = array<i32>} : memref<256x128xf32, #tpu.memory_space<vmem>>, vector<1x16xf32>,
      %select_n3A_341 = arith.select %lt3A_332, %get3A_144, %get3A_184 : vector<16xi1>, vector<16xf32>
      %add3A_342 = arith.constant 0 : i32
      %add3A_343 = arith.addi %mul3A_327, %add3A_342 : i32
      %swap3A_344 = arith.index_cast %add3A_343 : i32 to index
      %swap3A_345 = arith.constant 16 : index
      %swap3A_346 = tpu.vector_load %arg10[%swap3A_344, %swap3A_345] {strides = array<i32>} : memref<256x128xf32, #tpu.memory_space<vmem>>, vector<1x16xf32>,
      %swap3A_347 = vector.shape_cast %swap3A_346 : vector<1x16xf32> to vector<16xf32>
      %swap3A_348 = vector.shape_cast %select_n3A_341 : vector<16xf32> to vector<1x16xf32>
      tpu.vector_store %arg10[%swap3A_344, %swap3A_345], %swap3A_348 {strides = array<i32>} : memref<256x128xf32, #tpu.memory_space<vmem>>, vector<1x16xf32>,
      %select_n3A_349 = arith.select %lt3A_332, %get3A_149, %get3A_189 : vector<16xi1>, vector<16xf32>
      %add3A_350 = arith.constant 0 : i32
      %add3A_351 = arith.addi %mul3A_327, %add3A_350 : i32
      %swap3A_352 = arith.index_cast %add3A_351 : i32 to index
      %swap3A_353 = arith.constant 32 : index
      %swap3A_354 = tpu.vector_load %arg10[%swap3A_352, %swap3A_353] {strides = array<i32>} : memref<256x128xf32, #tpu.memory_space<vmem>>, vector<1x16xf32>,
      %swap3A_355 = vector.shape_cast %swap3A_354 : vector<1x16xf32> to vector<16xf32>
      %swap3A_356 = vector.shape_cast %select_n3A_349 : vector<16xf32> to vector<1x16xf32>
      tpu.vector_store %arg10[%swap3A_352, %swap3A_353], %swap3A_356 {strides = array<i32>} : memref<256x128xf32, #tpu.memory_space<vmem>>, vector<1x16xf32>,
      %select_n3A_357 = arith.select %lt3A_332, %get3A_154, %get3A_194 : vector<16xi1>, vector<16xf32>
      %add3A_358 = arith.constant 0 : i32
      %add3A_359 = arith.addi %mul3A_327, %add3A_358 : i32
      %swap3A_360 = arith.index_cast %add3A_359 : i32 to index
      %swap3A_361 = arith.constant 48 : index
      %swap3A_362 = tpu.vector_load %arg10[%swap3A_360, %swap3A_361] {strides = array<i32>} : memref<256x128xf32, #tpu.memory_space<vmem>>, vector<1x16xf32>,
      %swap3A_363 = vector.shape_cast %swap3A_362 : vector<1x16xf32> to vector<16xf32>
      %swap3A_364 = vector.shape_cast %select_n3A_357 : vector<16xf32> to vector<1x16xf32>
      tpu.vector_store %arg10[%swap3A_360, %swap3A_361], %swap3A_364 {strides = array<i32>} : memref<256x128xf32, #tpu.memory_space<vmem>>, vector<1x16xf32>,
      %select_n3A_365 = arith.select %lt3A_332, %get3A_159, %get3A_199 : vector<16xi1>, vector<16xf32>
      %add3A_366 = arith.constant 0 : i32
      %add3A_367 = arith.addi %mul3A_327, %add3A_366 : i32
      %swap3A_368 = arith.index_cast %add3A_367 : i32 to index
      %swap3A_369 = arith.constant 64 : index
      %swap3A_370 = tpu.vector_load %arg10[%swap3A_368, %swap3A_369] {strides = array<i32>} : memref<256x128xf32, #tpu.memory_space<vmem>>, vector<1x16xf32>,
      %swap3A_371 = vector.shape_cast %swap3A_370 : vector<1x16xf32> to vector<16xf32>
      %swap3A_372 = vector.shape_cast %select_n3A_365 : vector<16xf32> to vector<1x16xf32>
      tpu.vector_store %arg10[%swap3A_368, %swap3A_369], %swap3A_372 {strides = array<i32>} : memref<256x128xf32, #tpu.memory_space<vmem>>, vector<1x16xf32>,
      %select_n3A_373 = arith.select %lt3A_332, %get3A_164, %get3A_204 : vector<16xi1>, vector<16xf32>
      %add3A_374 = arith.constant 0 : i32
      %add3A_375 = arith.addi %mul3A_327, %add3A_374 : i32
      %swap3A_376 = arith.index_cast %add3A_375 : i32 to index
      %swap3A_377 = arith.constant 80 : index
      %swap3A_378 = tpu.vector_load %arg10[%swap3A_376, %swap3A_377] {strides = array<i32>} : memref<256x128xf32, #tpu.memory_space<vmem>>, vector<1x16xf32>,
      %swap3A_379 = vector.shape_cast %swap3A_378 : vector<1x16xf32> to vector<16xf32>
      %swap3A_380 = vector.shape_cast %select_n3A_373 : vector<16xf32> to vector<1x16xf32>
      tpu.vector_store %arg10[%swap3A_376, %swap3A_377], %swap3A_380 {strides = array<i32>} : memref<256x128xf32, #tpu.memory_space<vmem>>, vector<1x16xf32>,
      %select_n3A_381 = arith.select %lt3A_332, %get3A_169, %get3A_209 : vector<16xi1>, vector<16xf32>
      %add3A_382 = arith.constant 0 : i32
      %add3A_383 = arith.addi %mul3A_327, %add3A_382 : i32
      %swap3A_384 = arith.index_cast %add3A_383 : i32 to index
      %swap3A_385 = arith.constant 96 : index
      %swap3A_386 = tpu.vector_load %arg10[%swap3A_384, %swap3A_385] {strides = array<i32>} : memref<256x128xf32, #tpu.memory_space<vmem>>, vector<1x16xf32>,
      %swap3A_387 = vector.shape_cast %swap3A_386 : vector<1x16xf32> to vector<16xf32>
      %swap3A_388 = vector.shape_cast %select_n3A_381 : vector<16xf32> to vector<1x16xf32>
      tpu.vector_store %arg10[%swap3A_384, %swap3A_385], %swap3A_388 {strides = array<i32>} : memref<256x128xf32, #tpu.memory_space<vmem>>, vector<1x16xf32>,
      %select_n3A_389 = arith.select %lt3A_332, %get3A_174, %get3A_214 : vector<16xi1>, vector<16xf32>
      %add3A_390 = arith.constant 0 : i32
      %add3A_391 = arith.addi %mul3A_327, %add3A_390 : i32
      %swap3A_392 = arith.index_cast %add3A_391 : i32 to index
      %swap3A_393 = arith.constant 112 : index
      %swap3A_394 = tpu.vector_load %arg10[%swap3A_392, %swap3A_393] {strides = array<i32>} : memref<256x128xf32, #tpu.memory_space<vmem>>, vector<1x16xf32>,
      %swap3A_395 = vector.shape_cast %swap3A_394 : vector<1x16xf32> to vector<16xf32>
      %swap3A_396 = vector.shape_cast %select_n3A_389 : vector<16xf32> to vector<1x16xf32>
      tpu.vector_store %arg10[%swap3A_392, %swap3A_393], %swap3A_396 {strides = array<i32>} : memref<256x128xf32, #tpu.memory_space<vmem>>, vector<1x16xf32>,
      %add3A_397 = arith.addi %mul3A_134, %mul3A_327 : i32
      %add3A_398 = arith.constant 1 : i32
      %add3A_399 = arith.addi %add3A_397, %add3A_398 : i32
      %broadcast_in_dim3A_400 = vector.broadcast %add3A_399 : i32 to vector<16xi32>
      %lt3A_401 = arith.cmpi slt, %broadcast_in_dim3A_400, %select_n3A_132 : vector<16xi32>
      %select_n3A_402 = arith.select %lt3A_401, %get3A_139, %get3A_179 : vector<16xi1>, vector<16xf32>
      %add3A_403 = arith.constant 1 : i32
      %add3A_404 = arith.addi %mul3A_327, %add3A_403 : i32
      %swap3A_405 = arith.index_cast %add3A_404 : i32 to index
      %swap3A_406 = arith.constant 0 : index
      %swap3A_407 = tpu.vector_load %arg10[%swap3A_405, %swap3A_406] {strides = array<i32>} : memref<256x128xf32, #tpu.memory_space<vmem>>, vector<1x16xf32>,
      %swap3A_408 = vector.shape_cast %swap3A_407 : vector<1x16xf32> to vector<16xf32>
      %swap3A_409 = vector.shape_cast %select_n3A_402 : vector<16xf32> to vector<1x16xf32>
      tpu.vector_store %arg10[%swap3A_405, %swap3A_406], %swap3A_409 {strides = array<i32>} : memref<256x128xf32, #tpu.memory_space<vmem>>, vector<1x16xf32>,
      %select_n3A_410 = arith.select %lt3A_401, %get3A_144, %get3A_184 : vector<16xi1>, vector<16xf32>
      %add3A_411 = arith.constant 1 : i32
      %add3A_412 = arith.addi %mul3A_327, %add3A_411 : i32
      %swap3A_413 = arith.index_cast %add3A_412 : i32 to index
      %swap3A_414 = arith.constant 16 : index
      %swap3A_415 = tpu.vector_load %arg10[%swap3A_413, %swap3A_414] {strides = array<i32>} : memref<256x128xf32, #tpu.memory_space<vmem>>, vector<1x16xf32>,
      %swap3A_416 = vector.shape_cast %swap3A_415 : vector<1x16xf32> to vector<16xf32>
      %swap3A_417 = vector.shape_cast %select_n3A_410 : vector<16xf32> to vector<1x16xf32>
      tpu.vector_store %arg10[%swap3A_413, %swap3A_414], %swap3A_417 {strides = array<i32>} : memref<256x128xf32, #tpu.memory_space<vmem>>, vector<1x16xf32>,
      %select_n3A_418 = arith.select %lt3A_401, %get3A_149, %get3A_189 : vector<16xi1>, vector<16xf32>
      %add3A_419 = arith.constant 1 : i32
      %add3A_420 = arith.addi %mul3A_327, %add3A_419 : i32
      %swap3A_421 = arith.index_cast %add3A_420 : i32 to index
      %swap3A_422 = arith.constant 32 : index
      %swap3A_423 = tpu.vector_load %arg10[%swap3A_421, %swap3A_422] {strides = array<i32>} : memref<256x128xf32, #tpu.memory_space<vmem>>, vector<1x16xf32>,
      %swap3A_424 = vector.shape_cast %swap3A_423 : vector<1x16xf32> to vector<16xf32>
      %swap3A_425 = vector.shape_cast %select_n3A_418 : vector<16xf32> to vector<1x16xf32>
      tpu.vector_store %arg10[%swap3A_421, %swap3A_422], %swap3A_425 {strides = array<i32>} : memref<256x128xf32, #tpu.memory_space<vmem>>, vector<1x16xf32>,
      %select_n3A_426 = arith.select %lt3A_401, %get3A_154, %get3A_194 : vector<16xi1>, vector<16xf32>
      %add3A_427 = arith.constant 1 : i32
      %add3A_428 = arith.addi %mul3A_327, %add3A_427 : i32
      %swap3A_429 = arith.index_cast %add3A_428 : i32 to index
      %swap3A_430 = arith.constant 48 : index
      %swap3A_431 = tpu.vector_load %arg10[%swap3A_429, %swap3A_430] {strides = array<i32>} : memref<256x128xf32, #tpu.memory_space<vmem>>, vector<1x16xf32>,
      %swap3A_432 = vector.shape_cast %swap3A_431 : vector<1x16xf32> to vector<16xf32>
      %swap3A_433 = vector.shape_cast %select_n3A_426 : vector<16xf32> to vector<1x16xf32>
      tpu.vector_store %arg10[%swap3A_429, %swap3A_430], %swap3A_433 {strides = array<i32>} : memref<256x128xf32, #tpu.memory_space<vmem>>, vector<1x16xf32>,
      %select_n3A_434 = arith.select %lt3A_401, %get3A_159, %get3A_199 : vector<16xi1>, vector<16xf32>
      %add3A_435 = arith.constant 1 : i32
      %add3A_436 = arith.addi %mul3A_327, %add3A_435 : i32
      %swap3A_437 = arith.index_cast %add3A_436 : i32 to index
      %swap3A_438 = arith.constant 64 : index
      %swap3A_439 = tpu.vector_load %arg10[%swap3A_437, %swap3A_438] {strides = array<i32>} : memref<256x128xf32, #tpu.memory_space<vmem>>, vector<1x16xf32>,
      %swap3A_440 = vector.shape_cast %swap3A_439 : vector<1x16xf32> to vector<16xf32>
      %swap3A_441 = vector.shape_cast %select_n3A_434 : vector<16xf32> to vector<1x16xf32>
      tpu.vector_store %arg10[%swap3A_437, %swap3A_438], %swap3A_441 {strides = array<i32>} : memref<256x128xf32, #tpu.memory_space<vmem>>, vector<1x16xf32>,
      %select_n3A_442 = arith.select %lt3A_401, %get3A_164, %get3A_204 : vector<16xi1>, vector<16xf32>
      %add3A_443 = arith.constant 1 : i32
      %add3A_444 = arith.addi %mul3A_327, %add3A_443 : i32
      %swap3A_445 = arith.index_cast %add3A_444 : i32 to index
      %swap3A_446 = arith.constant 80 : index
      %swap3A_447 = tpu.vector_load %arg10[%swap3A_445, %swap3A_446] {strides = array<i32>} : memref<256x128xf32, #tpu.memory_space<vmem>>, vector<1x16xf32>,
      %swap3A_448 = vector.shape_cast %swap3A_447 : vector<1x16xf32> to vector<16xf32>
      %swap3A_449 = vector.shape_cast %select_n3A_442 : vector<16xf32> to vector<1x16xf32>
      tpu.vector_store %arg10[%swap3A_445, %swap3A_446], %swap3A_449 {strides = array<i32>} : memref<256x128xf32, #tpu.memory_space<vmem>>, vector<1x16xf32>,
      %select_n3A_450 = arith.select %lt3A_401, %get3A_169, %get3A_209 : vector<16xi1>, vector<16xf32>
      %add3A_451 = arith.constant 1 : i32
      %add3A_452 = arith.addi %mul3A_327, %add3A_451 : i32
      %swap3A_453 = arith.index_cast %add3A_452 : i32 to index
      %swap3A_454 = arith.constant 96 : index
      %swap3A_455 = tpu.vector_load %arg10[%swap3A_453, %swap3A_454] {strides = array<i32>} : memref<256x128xf32, #tpu.memory_space<vmem>>, vector<1x16xf32>,
      %swap3A_456 = vector.shape_cast %swap3A_455 : vector<1x16xf32> to vector<16xf32>
      %swap3A_457 = vector.shape_cast %select_n3A_450 : vector<16xf32> to vector<1x16xf32>
      tpu.vector_store %arg10[%swap3A_453, %swap3A_454], %swap3A_457 {strides = array<i32>} : memref<256x128xf32, #tpu.memory_space<vmem>>, vector<1x16xf32>,
      %select_n3A_458 = arith.select %lt3A_401, %get3A_174, %get3A_214 : vector<16xi1>, vector<16xf32>
      %add3A_459 = arith.constant 1 : i32
      %add3A_460 = arith.addi %mul3A_327, %add3A_459 : i32
      %swap3A_461 = arith.index_cast %add3A_460 : i32 to index
      %swap3A_462 = arith.constant 112 : index
      %swap3A_463 = tpu.vector_load %arg10[%swap3A_461, %swap3A_462] {strides = array<i32>} : memref<256x128xf32, #tpu.memory_space<vmem>>, vector<1x16xf32>,
      %swap3A_464 = vector.shape_cast %swap3A_463 : vector<1x16xf32> to vector<16xf32>
      %swap3A_465 = vector.shape_cast %select_n3A_458 : vector<16xf32> to vector<1x16xf32>
      tpu.vector_store %arg10[%swap3A_461, %swap3A_462], %swap3A_465 {strides = array<i32>} : memref<256x128xf32, #tpu.memory_space<vmem>>, vector<1x16xf32>,
      %add3A_466 = arith.addi %mul3A_134, %mul3A_327 : i32
      %add3A_467 = arith.constant 2 : i32
      %add3A_468 = arith.addi %add3A_466, %add3A_467 : i32
      %broadcast_in_dim3A_469 = vector.broadcast %add3A_468 : i32 to vector<16xi32>
      %lt3A_470 = arith.cmpi slt, %broadcast_in_dim3A_469, %select_n3A_132 : vector<16xi32>
      %select_n3A_471 = arith.select %lt3A_470, %get3A_139, %get3A_179 : vector<16xi1>, vector<16xf32>
      %add3A_472 = arith.constant 2 : i32
      %add3A_473 = arith.addi %mul3A_327, %add3A_472 : i32
      %swap3A_474 = arith.index_cast %add3A_473 : i32 to index
      %swap3A_475 = arith.constant 0 : index
      %swap3A_476 = tpu.vector_load %arg10[%swap3A_474, %swap3A_475] {strides = array<i32>} : memref<256x128xf32, #tpu.memory_space<vmem>>, vector<1x16xf32>,
      %swap3A_477 = vector.shape_cast %swap3A_476 : vector<1x16xf32> to vector<16xf32>
      %swap3A_478 = vector.shape_cast %select_n3A_471 : vector<16xf32> to vector<1x16xf32>
      tpu.vector_store %arg10[%swap3A_474, %swap3A_475], %swap3A_478 {strides = array<i32>} : memref<256x128xf32, #tpu.memory_space<vmem>>, vector<1x16xf32>,
      %select_n3A_479 = arith.select %lt3A_470, %get3A_144, %get3A_184 : vector<16xi1>, vector<16xf32>
      %add3A_480 = arith.constant 2 : i32
      %add3A_481 = arith.addi %mul3A_327, %add3A_480 : i32
      %swap3A_482 = arith.index_cast %add3A_481 : i32 to index
      %swap3A_483 = arith.constant 16 : index
      %swap3A_484 = tpu.vector_load %arg10[%swap3A_482, %swap3A_483] {strides = array<i32>} : memref<256x128xf32, #tpu.memory_space<vmem>>, vector<1x16xf32>,
      %swap3A_485 = vector.shape_cast %swap3A_484 : vector<1x16xf32> to vector<16xf32>
      %swap3A_486 = vector.shape_cast %select_n3A_479 : vector<16xf32> to vector<1x16xf32>
      tpu.vector_store %arg10[%swap3A_482, %swap3A_483], %swap3A_486 {strides = array<i32>} : memref<256x128xf32, #tpu.memory_space<vmem>>, vector<1x16xf32>,
      %select_n3A_487 = arith.select %lt3A_470, %get3A_149, %get3A_189 : vector<16xi1>, vector<16xf32>
      %add3A_488 = arith.constant 2 : i32
      %add3A_489 = arith.addi %mul3A_327, %add3A_488 : i32
      %swap3A_490 = arith.index_cast %add3A_489 : i32 to index
      %swap3A_491 = arith.constant 32 : index
      %swap3A_492 = tpu.vector_load %arg10[%swap3A_490, %swap3A_491] {strides = array<i32>} : memref<256x128xf32, #tpu.memory_space<vmem>>, vector<1x16xf32>,
      %swap3A_493 = vector.shape_cast %swap3A_492 : vector<1x16xf32> to vector<16xf32>
      %swap3A_494 = vector.shape_cast %select_n3A_487 : vector<16xf32> to vector<1x16xf32>
      tpu.vector_store %arg10[%swap3A_490, %swap3A_491], %swap3A_494 {strides = array<i32>} : memref<256x128xf32, #tpu.memory_space<vmem>>, vector<1x16xf32>,
      %select_n3A_495 = arith.select %lt3A_470, %get3A_154, %get3A_194 : vector<16xi1>, vector<16xf32>
      %add3A_496 = arith.constant 2 : i32
      %add3A_497 = arith.addi %mul3A_327, %add3A_496 : i32
      %swap3A_498 = arith.index_cast %add3A_497 : i32 to index
      %swap3A_499 = arith.constant 48 : index
      %swap3A_500 = tpu.vector_load %arg10[%swap3A_498, %swap3A_499] {strides = array<i32>} : memref<256x128xf32, #tpu.memory_space<vmem>>, vector<1x16xf32>,
      %swap3A_501 = vector.shape_cast %swap3A_500 : vector<1x16xf32> to vector<16xf32>
      %swap3A_502 = vector.shape_cast %select_n3A_495 : vector<16xf32> to vector<1x16xf32>
      tpu.vector_store %arg10[%swap3A_498, %swap3A_499], %swap3A_502 {strides = array<i32>} : memref<256x128xf32, #tpu.memory_space<vmem>>, vector<1x16xf32>,
      %select_n3A_503 = arith.select %lt3A_470, %get3A_159, %get3A_199 : vector<16xi1>, vector<16xf32>
      %add3A_504 = arith.constant 2 : i32
      %add3A_505 = arith.addi %mul3A_327, %add3A_504 : i32
      %swap3A_506 = arith.index_cast %add3A_505 : i32 to index
      %swap3A_507 = arith.constant 64 : index
      %swap3A_508 = tpu.vector_load %arg10[%swap3A_506, %swap3A_507] {strides = array<i32>} : memref<256x128xf32, #tpu.memory_space<vmem>>, vector<1x16xf32>,
      %swap3A_509 = vector.shape_cast %swap3A_508 : vector<1x16xf32> to vector<16xf32>
      %swap3A_510 = vector.shape_cast %select_n3A_503 : vector<16xf32> to vector<1x16xf32>
      tpu.vector_store %arg10[%swap3A_506, %swap3A_507], %swap3A_510 {strides = array<i32>} : memref<256x128xf32, #tpu.memory_space<vmem>>, vector<1x16xf32>,
      %select_n3A_511 = arith.select %lt3A_470, %get3A_164, %get3A_204 : vector<16xi1>, vector<16xf32>
      %add3A_512 = arith.constant 2 : i32
      %add3A_513 = arith.addi %mul3A_327, %add3A_512 : i32
      %swap3A_514 = arith.index_cast %add3A_513 : i32 to index
      %swap3A_515 = arith.constant 80 : index
      %swap3A_516 = tpu.vector_load %arg10[%swap3A_514, %swap3A_515] {strides = array<i32>} : memref<256x128xf32, #tpu.memory_space<vmem>>, vector<1x16xf32>,
      %swap3A_517 = vector.shape_cast %swap3A_516 : vector<1x16xf32> to vector<16xf32>
      %swap3A_518 = vector.shape_cast %select_n3A_511 : vector<16xf32> to vector<1x16xf32>
      tpu.vector_store %arg10[%swap3A_514, %swap3A_515], %swap3A_518 {strides = array<i32>} : memref<256x128xf32, #tpu.memory_space<vmem>>, vector<1x16xf32>,
      %select_n3A_519 = arith.select %lt3A_470, %get3A_169, %get3A_209 : vector<16xi1>, vector<16xf32>
      %add3A_520 = arith.constant 2 : i32
      %add3A_521 = arith.addi %mul3A_327, %add3A_520 : i32
      %swap3A_522 = arith.index_cast %add3A_521 : i32 to index
      %swap3A_523 = arith.constant 96 : index
      %swap3A_524 = tpu.vector_load %arg10[%swap3A_522, %swap3A_523] {strides = array<i32>} : memref<256x128xf32, #tpu.memory_space<vmem>>, vector<1x16xf32>,
      %swap3A_525 = vector.shape_cast %swap3A_524 : vector<1x16xf32> to vector<16xf32>
      %swap3A_526 = vector.shape_cast %select_n3A_519 : vector<16xf32> to vector<1x16xf32>
      tpu.vector_store %arg10[%swap3A_522, %swap3A_523], %swap3A_526 {strides = array<i32>} : memref<256x128xf32, #tpu.memory_space<vmem>>, vector<1x16xf32>,
      %select_n3A_527 = arith.select %lt3A_470, %get3A_174, %get3A_214 : vector<16xi1>, vector<16xf32>
      %add3A_528 = arith.constant 2 : i32
      %add3A_529 = arith.addi %mul3A_327, %add3A_528 : i32
      %swap3A_530 = arith.index_cast %add3A_529 : i32 to index
      %swap3A_531 = arith.constant 112 : index
      %swap3A_532 = tpu.vector_load %arg10[%swap3A_530, %swap3A_531] {strides = array<i32>} : memref<256x128xf32, #tpu.memory_space<vmem>>, vector<1x16xf32>,
      %swap3A_533 = vector.shape_cast %swap3A_532 : vector<1x16xf32> to vector<16xf32>
      %swap3A_534 = vector.shape_cast %select_n3A_527 : vector<16xf32> to vector<1x16xf32>
      tpu.vector_store %arg10[%swap3A_530, %swap3A_531], %swap3A_534 {strides = array<i32>} : memref<256x128xf32, #tpu.memory_space<vmem>>, vector<1x16xf32>,
      %add3A_535 = arith.addi %mul3A_134, %mul3A_327 : i32
      %add3A_536 = arith.constant 3 : i32
      %add3A_537 = arith.addi %add3A_535, %add3A_536 : i32
      %broadcast_in_dim3A_538 = vector.broadcast %add3A_537 : i32 to vector<16xi32>
      %lt3A_539 = arith.cmpi slt, %broadcast_in_dim3A_538, %select_n3A_132 : vector<16xi32>
      %select_n3A_540 = arith.select %lt3A_539, %get3A_139, %get3A_179 : vector<16xi1>, vector<16xf32>
      %add3A_541 = arith.constant 3 : i32
      %add3A_542 = arith.addi %mul3A_327, %add3A_541 : i32
      %swap3A_543 = arith.index_cast %add3A_542 : i32 to index
      %swap3A_544 = arith.constant 0 : index
      %swap3A_545 = tpu.vector_load %arg10[%swap3A_543, %swap3A_544] {strides = array<i32>} : memref<256x128xf32, #tpu.memory_space<vmem>>, vector<1x16xf32>,
      %swap3A_546 = vector.shape_cast %swap3A_545 : vector<1x16xf32> to vector<16xf32>
      %swap3A_547 = vector.shape_cast %select_n3A_540 : vector<16xf32> to vector<1x16xf32>
      tpu.vector_store %arg10[%swap3A_543, %swap3A_544], %swap3A_547 {strides = array<i32>} : memref<256x128xf32, #tpu.memory_space<vmem>>, vector<1x16xf32>,
      %select_n3A_548 = arith.select %lt3A_539, %get3A_144, %get3A_184 : vector<16xi1>, vector<16xf32>
      %add3A_549 = arith.constant 3 : i32
      %add3A_550 = arith.addi %mul3A_327, %add3A_549 : i32
      %swap3A_551 = arith.index_cast %add3A_550 : i32 to index
      %swap3A_552 = arith.constant 16 : index
      %swap3A_553 = tpu.vector_load %arg10[%swap3A_551, %swap3A_552] {strides = array<i32>} : memref<256x128xf32, #tpu.memory_space<vmem>>, vector<1x16xf32>,
      %swap3A_554 = vector.shape_cast %swap3A_553 : vector<1x16xf32> to vector<16xf32>
      %swap3A_555 = vector.shape_cast %select_n3A_548 : vector<16xf32> to vector<1x16xf32>
      tpu.vector_store %arg10[%swap3A_551, %swap3A_552], %swap3A_555 {strides = array<i32>} : memref<256x128xf32, #tpu.memory_space<vmem>>, vector<1x16xf32>,
      %select_n3A_556 = arith.select %lt3A_539, %get3A_149, %get3A_189 : vector<16xi1>, vector<16xf32>
      %add3A_557 = arith.constant 3 : i32
      %add3A_558 = arith.addi %mul3A_327, %add3A_557 : i32
      %swap3A_559 = arith.index_cast %add3A_558 : i32 to index
      %swap3A_560 = arith.constant 32 : index
      %swap3A_561 = tpu.vector_load %arg10[%swap3A_559, %swap3A_560] {strides = array<i32>} : memref<256x128xf32, #tpu.memory_space<vmem>>, vector<1x16xf32>,
      %swap3A_562 = vector.shape_cast %swap3A_561 : vector<1x16xf32> to vector<16xf32>
      %swap3A_563 = vector.shape_cast %select_n3A_556 : vector<16xf32> to vector<1x16xf32>
      tpu.vector_store %arg10[%swap3A_559, %swap3A_560], %swap3A_563 {strides = array<i32>} : memref<256x128xf32, #tpu.memory_space<vmem>>, vector<1x16xf32>,
      %select_n3A_564 = arith.select %lt3A_539, %get3A_154, %get3A_194 : vector<16xi1>, vector<16xf32>
      %add3A_565 = arith.constant 3 : i32
      %add3A_566 = arith.addi %mul3A_327, %add3A_565 : i32
      %swap3A_567 = arith.index_cast %add3A_566 : i32 to index
      %swap3A_568 = arith.constant 48 : index
      %swap3A_569 = tpu.vector_load %arg10[%swap3A_567, %swap3A_568] {strides = array<i32>} : memref<256x128xf32, #tpu.memory_space<vmem>>, vector<1x16xf32>,
      %swap3A_570 = vector.shape_cast %swap3A_569 : vector<1x16xf32> to vector<16xf32>
      %swap3A_571 = vector.shape_cast %select_n3A_564 : vector<16xf32> to vector<1x16xf32>
      tpu.vector_store %arg10[%swap3A_567, %swap3A_568], %swap3A_571 {strides = array<i32>} : memref<256x128xf32, #tpu.memory_space<vmem>>, vector<1x16xf32>,
      %select_n3A_572 = arith.select %lt3A_539, %get3A_159, %get3A_199 : vector<16xi1>, vector<16xf32>
      %add3A_573 = arith.constant 3 : i32
      %add3A_574 = arith.addi %mul3A_327, %add3A_573 : i32
      %swap3A_575 = arith.index_cast %add3A_574 : i32 to index
      %swap3A_576 = arith.constant 64 : index
      %swap3A_577 = tpu.vector_load %arg10[%swap3A_575, %swap3A_576] {strides = array<i32>} : memref<256x128xf32, #tpu.memory_space<vmem>>, vector<1x16xf32>,
      %swap3A_578 = vector.shape_cast %swap3A_577 : vector<1x16xf32> to vector<16xf32>
      %swap3A_579 = vector.shape_cast %select_n3A_572 : vector<16xf32> to vector<1x16xf32>
      tpu.vector_store %arg10[%swap3A_575, %swap3A_576], %swap3A_579 {strides = array<i32>} : memref<256x128xf32, #tpu.memory_space<vmem>>, vector<1x16xf32>,
      %select_n3A_580 = arith.select %lt3A_539, %get3A_164, %get3A_204 : vector<16xi1>, vector<16xf32>
      %add3A_581 = arith.constant 3 : i32
      %add3A_582 = arith.addi %mul3A_327, %add3A_581 : i32
      %swap3A_583 = arith.index_cast %add3A_582 : i32 to index
      %swap3A_584 = arith.constant 80 : index
      %swap3A_585 = tpu.vector_load %arg10[%swap3A_583, %swap3A_584] {strides = array<i32>} : memref<256x128xf32, #tpu.memory_space<vmem>>, vector<1x16xf32>,
      %swap3A_586 = vector.shape_cast %swap3A_585 : vector<1x16xf32> to vector<16xf32>
      %swap3A_587 = vector.shape_cast %select_n3A_580 : vector<16xf32> to vector<1x16xf32>
      tpu.vector_store %arg10[%swap3A_583, %swap3A_584], %swap3A_587 {strides = array<i32>} : memref<256x128xf32, #tpu.memory_space<vmem>>, vector<1x16xf32>,
      %select_n3A_588 = arith.select %lt3A_539, %get3A_169, %get3A_209 : vector<16xi1>, vector<16xf32>
      %add3A_589 = arith.constant 3 : i32
      %add3A_590 = arith.addi %mul3A_327, %add3A_589 : i32
      %swap3A_591 = arith.index_cast %add3A_590 : i32 to index
      %swap3A_592 = arith.constant 96 : index
      %swap3A_593 = tpu.vector_load %arg10[%swap3A_591, %swap3A_592] {strides = array<i32>} : memref<256x128xf32, #tpu.memory_space<vmem>>, vector<1x16xf32>,
      %swap3A_594 = vector.shape_cast %swap3A_593 : vector<1x16xf32> to vector<16xf32>
      %swap3A_595 = vector.shape_cast %select_n3A_588 : vector<16xf32> to vector<1x16xf32>
      tpu.vector_store %arg10[%swap3A_591, %swap3A_592], %swap3A_595 {strides = array<i32>} : memref<256x128xf32, #tpu.memory_space<vmem>>, vector<1x16xf32>,
      %select_n3A_596 = arith.select %lt3A_539, %get3A_174, %get3A_214 : vector<16xi1>, vector<16xf32>
      %add3A_597 = arith.constant 3 : i32
      %add3A_598 = arith.addi %mul3A_327, %add3A_597 : i32
      %swap3A_599 = arith.index_cast %add3A_598 : i32 to index
      %swap3A_600 = arith.constant 112 : index
      %swap3A_601 = tpu.vector_load %arg10[%swap3A_599, %swap3A_600] {strides = array<i32>} : memref<256x128xf32, #tpu.memory_space<vmem>>, vector<1x16xf32>,
      %swap3A_602 = vector.shape_cast %swap3A_601 : vector<1x16xf32> to vector<16xf32>
      %swap3A_603 = vector.shape_cast %select_n3A_596 : vector<16xf32> to vector<1x16xf32>
      tpu.vector_store %arg10[%swap3A_599, %swap3A_600], %swap3A_603 {strides = array<i32>} : memref<256x128xf32, #tpu.memory_space<vmem>>, vector<1x16xf32>,
    }
    %scan3A_273 = arith.constant 16 : i32
    %add3A_274 = arith.constant 192 : i32
    %add3A_275 = arith.addi %mul3A_134, %add3A_274 : i32
    %dma_start3A_276 = arith.constant 192 : i32
    %dma_start3A_277 = arith.constant 0 : i32
    %dma_start3A_278 = tpu.memref_slice %arg10[%dma_start3A_276, %dma_start3A_277] : memref<256x128xf32, #tpu.memory_space<vmem>> -> memref<64x128xf32, #tpu.memory_space<vmem>>
    %dma_start3A_279 = arith.constant 0 : i32
    %dma_start3A_280 = tpu.memref_slice %arg4[%add3A_275, %dma_start3A_279] : memref<8192x128xf32, #tpu.memory_space<hbm>> -> memref<64x128xf32, #tpu.memory_space<hbm>>
    %dma_start3A_281 = arith.constant 0 : i32
    %dma_start3A_282 = tpu.memref_slice %arg4[%add3A_275, %dma_start3A_281] : memref<8192x128xf32, #tpu.memory_space<hbm>> -> memref<64x128xf32, #tpu.memory_space<hbm>>
    %dma_start3A_283 = arith.constant 192 : i32
    %dma_start3A_284 = arith.constant 0 : i32
    %dma_start3A_285 = tpu.memref_slice %arg10[%dma_start3A_283, %dma_start3A_284] : memref<256x128xf32, #tpu.memory_space<vmem>> -> memref<64x128xf32, #tpu.memory_space<vmem>>
    tpu.enqueue_dma source(%dma_start3A_285 : memref<64x128xf32, #tpu.memory_space<vmem>>) target(%dma_start3A_282 : memref<64x128xf32, #tpu.memory_space<hbm>>) target_semaphore(%arg11 : memref<!tpu.dma_semaphore, #tpu.memory_space<semaphore_mem>>)
    %dma_wait3A = arith.constant 0 : i32
    %dma_wait3A_286 = arith.constant 0 : i32
    %dma_wait3A_287 = tpu.memref_slice %arg10[%dma_wait3A, %dma_wait3A_286] : memref<256x128xf32, #tpu.memory_space<vmem>> -> memref<64x128xf32, #tpu.memory_space<vmem>>
    %dma_wait3A_288 = arith.constant 0 : i32
    %dma_wait3A_289 = tpu.memref_slice %arg4[%add3A_222, %dma_wait3A_288] : memref<8192x128xf32, #tpu.memory_space<hbm>> -> memref<64x128xf32, #tpu.memory_space<hbm>>
    %dma_wait3A_290 = arith.constant 0 : i32
    %dma_wait3A_291 = tpu.memref_slice %arg4[%add3A_222, %dma_wait3A_290] : memref<8192x128xf32, #tpu.memory_space<hbm>> -> memref<64x128xf32, #tpu.memory_space<hbm>>
    %dma_wait3A_292 = arith.constant 0 : i32
    %dma_wait3A_293 = arith.constant 0 : i32
    %dma_wait3A_294 = tpu.memref_slice %arg10[%dma_wait3A_292, %dma_wait3A_293] : memref<256x128xf32, #tpu.memory_space<vmem>> -> memref<64x128xf32, #tpu.memory_space<vmem>>
    tpu.wait_dma2 semaphore(%arg11 : memref<!tpu.dma_semaphore, #tpu.memory_space<semaphore_mem>>) src(%dma_wait3A_294 : memref<64x128xf32, #tpu.memory_space<vmem>>) dst(%dma_wait3A_291 : memref<64x128xf32, #tpu.memory_space<hbm>>)
    %dma_wait3A_295 = arith.constant 64 : i32
    %dma_wait3A_296 = arith.constant 0 : i32
    %dma_wait3A_297 = tpu.memref_slice %arg10[%dma_wait3A_295, %dma_wait3A_296] : memref<256x128xf32, #tpu.memory_space<vmem>> -> memref<64x128xf32, #tpu.memory_space<vmem>>
    %dma_wait3A_298 = arith.constant 0 : i32
    %dma_wait3A_299 = tpu.memref_slice %arg4[%add3A_239, %dma_wait3A_298] : memref<8192x128xf32, #tpu.memory_space<hbm>> -> memref<64x128xf32, #tpu.memory_space<hbm>>
    %dma_wait3A_300 = arith.constant 0 : i32
    %dma_wait3A_301 = tpu.memref_slice %arg4[%add3A_239, %dma_wait3A_300] : memref<8192x128xf32, #tpu.memory_space<hbm>> -> memref<64x128xf32, #tpu.memory_space<hbm>>
    %dma_wait3A_302 = arith.constant 64 : i32
    %dma_wait3A_303 = arith.constant 0 : i32
    %dma_wait3A_304 = tpu.memref_slice %arg10[%dma_wait3A_302, %dma_wait3A_303] : memref<256x128xf32, #tpu.memory_space<vmem>> -> memref<64x128xf32, #tpu.memory_space<vmem>>
    tpu.wait_dma2 semaphore(%arg11 : memref<!tpu.dma_semaphore, #tpu.memory_space<semaphore_mem>>) src(%dma_wait3A_304 : memref<64x128xf32, #tpu.memory_space<vmem>>) dst(%dma_wait3A_301 : memref<64x128xf32, #tpu.memory_space<hbm>>)
    %dma_wait3A_305 = arith.constant 128 : i32
    %dma_wait3A_306 = arith.constant 0 : i32
    %dma_wait3A_307 = tpu.memref_slice %arg10[%dma_wait3A_305, %dma_wait3A_306] : memref<256x128xf32, #tpu.memory_space<vmem>> -> memref<64x128xf32, #tpu.memory_space<vmem>>
    %dma_wait3A_308 = arith.constant 0 : i32
    %dma_wait3A_309 = tpu.memref_slice %arg4[%add3A_257, %dma_wait3A_308] : memref<8192x128xf32, #tpu.memory_space<hbm>> -> memref<64x128xf32, #tpu.memory_space<hbm>>
    %dma_wait3A_310 = arith.constant 0 : i32
    %dma_wait3A_311 = tpu.memref_slice %arg4[%add3A_257, %dma_wait3A_310] : memref<8192x128xf32, #tpu.memory_space<hbm>> -> memref<64x128xf32, #tpu.memory_space<hbm>>
    %dma_wait3A_312 = arith.constant 128 : i32
    %dma_wait3A_313 = arith.constant 0 : i32
    %dma_wait3A_314 = tpu.memref_slice %arg10[%dma_wait3A_312, %dma_wait3A_313] : memref<256x128xf32, #tpu.memory_space<vmem>> -> memref<64x128xf32, #tpu.memory_space<vmem>>
    tpu.wait_dma2 semaphore(%arg11 : memref<!tpu.dma_semaphore, #tpu.memory_space<semaphore_mem>>) src(%dma_wait3A_314 : memref<64x128xf32, #tpu.memory_space<vmem>>) dst(%dma_wait3A_311 : memref<64x128xf32, #tpu.memory_space<hbm>>)
    %dma_wait3A_315 = arith.constant 192 : i32
    %dma_wait3A_316 = arith.constant 0 : i32
    %dma_wait3A_317 = tpu.memref_slice %arg10[%dma_wait3A_315, %dma_wait3A_316] : memref<256x128xf32, #tpu.memory_space<vmem>> -> memref<64x128xf32, #tpu.memory_space<vmem>>
    %dma_wait3A_318 = arith.constant 0 : i32
    %dma_wait3A_319 = tpu.memref_slice %arg4[%add3A_275, %dma_wait3A_318] : memref<8192x128xf32, #tpu.memory_space<hbm>> -> memref<64x128xf32, #tpu.memory_space<hbm>>
    %dma_wait3A_320 = arith.constant 0 : i32
    %dma_wait3A_321 = tpu.memref_slice %arg4[%add3A_275, %dma_wait3A_320] : memref<8192x128xf32, #tpu.memory_space<hbm>> -> memref<64x128xf32, #tpu.memory_space<hbm>>
    %dma_wait3A_322 = arith.constant 192 : i32
    %dma_wait3A_323 = arith.constant 0 : i32
    %dma_wait3A_324 = tpu.memref_slice %arg10[%dma_wait3A_322, %dma_wait3A_323] : memref<256x128xf32, #tpu.memory_space<vmem>> -> memref<64x128xf32, #tpu.memory_space<vmem>>
    tpu.wait_dma2 semaphore(%arg11 : memref<!tpu.dma_semaphore, #tpu.memory_space<semaphore_mem>>) src(%dma_wait3A_324 : memref<64x128xf32, #tpu.memory_space<vmem>>) dst(%dma_wait3A_321 : memref<64x128xf32, #tpu.memory_space<hbm>>)
    return
  }
}

</mosaic_0001>

<sc_bundles>
// kernel: kernel.3.cloned.1.call-start
scs
__scs_entry_jumppad:
0x0: {  	(pc) =	sbr.rel $0x88, $3  }
0x1: {  	(tag) =	ssettag $0x0;
	lr =	simm.s32 $0x1  }
0x2: {  	[smem:$0x3F9F] =	sst lr;
	_ =	strace $0xD0000000  }
0x3: {  	_ = 	snop  }
0x4: {  	_ = 	snop  }
0x5: {  	_ = 	snop  }
0x6: {  	_ = 	snop  }
0x7: {  	_ = 	snop  }
__scs_overlays_trampoline_lowered:
0x8: {  	[smem:$0x3FAE] =	sst s0  }
0x9: {  	[smem:$0x3FAF] =	sst s1  }
0xa: {  	[smem:$0x3FB0] =	sst s2  }
0xb: {  	[smem:$0x3FB1] =	sst s3  }
0xc: {  	[smem:$0x3FB2] =	sst s4  }
0xd: {  	[smem:$0x3FB3] =	sst s5  }
0xe: {  	[smem:$0x3FB4] =	sst s6  }
0xf: {  	[smem:$0x3FB5] =	sst s7  }
0x10: {  	[smem:$0x3FB6] =	sst s8  }
0x11: {  	[smem:$0x3FB7] =	sst s9;
	s0 =	simm.s32 @!p0 $0x0  }
0x12: {  	s1 =	sld [smem:$0x3F9D];
	s0 =	simm.s32 @p0 $0x1  }
0x13: {  	[smem:$0x3FB8] =	sst s0;
	s0 =	simm.s32 @!p1 $0x0  }
0x14: {  	s2 =	sld [smem:$0x3F9C];
	s0 =	simm.s32 @p1 $0x1  }
0x15: {  	[smem:$0x3FB9] =	sst s0;
	s0 =	simm.s32 @!p2 $0x0  }
0x16: {  	s3 =	sld [smem:$0x3FDB];
	s0 =	simm.s32 @p2 $0x1  }
0x17: {  	s4 =	simm.s32 $0x1BF5;
	[smem:$0x3FBB] =	sst s0  }
0x18: {  	s0 =	sld [smem:$0x3F9E];
	_ =	swait.ge [sflag:s4], $0x0  }
0x19: {  	s7 =	sld [smem:$0x3F9F]  }
0x1a: {  	s8 =	sadd.s32 $0xFFFFE003, lr  }
0x1b: {  	s9 =	sadd.s32 $0xFFFFFEF7, lr;
	s5 =	simm.s32 $0xFFFFFFFF;
	p2 =	slt.u32 s8, $0xFFFFF086  }
0x1c: {  	p1 =	slt.u32 s9, $0xF7A;
	s5 =	simm.s32 @!p2 $0x0  }
0x1d: {  	s5 =	simm.s32 @p1 $0x1;
	p0 =	seq.s32 s7, s2  }
0x1e: {  	s7 =	smul.u32 @!p0 $0xF7A, s2;
	p2 =	seq.s32 @!p0 s5, $0x0  }
0x1f: {  	s9 =	smul.u32 $0xF7A, s1;
	s8 =	simm.s32 @!p0 $0x1BF5;
	p2 =	por !p2, p0  }
0x20: {  	[sflag:s8] =	ssyncset.s32 @!p0 $0xFFFFF086;
	s6 =	sadd.s32 @!p0 s3, s7;
	s7 =	simm.s32 @!p0 $0x108  }
0x21: {  	s3 =	sadd.s32 s3, s9;
	s6 =	sadd.s32 @!p0 $0x88, s6;
	s7 =	simm.s32 @p2 $0x1082  }
0x22: {  	[simem:s7], [sflag:s8] =	dma.local @!p0 [hbm:s6], $0xF7A  }
0x23: {  	s9 =	sor.u32 $0xD0000000, s2;
	s6 =	simm.s32 $0x108;
	_ =	swait.ge @!p0 [sflag:s8], $0x0  }
0x24: {  	s3 =	sadd.s32 $0x88, s3;
	s6 =	simm.s32 @!p1 $0x1082;
	[sflag:s4] =	ssyncset.s32 $0xFFFFF086  }
0x25: {  	[simem:s6], [sflag:s4] =	dma.local [hbm:s3], $0xF7A  }
0x26: {  	[smem:$0x3F9F] =	sst s1;
	(tag) =	ssettag s2;
	_ =	strace s9  }
0x27: {  	s1 =	sld [smem:$0x3FAF]  }
0x28: {  	s2 =	sld [smem:$0x3FB0]  }
0x29: {  	s4 =	sld [smem:$0x3FB2]  }
0x2a: {  	p0 =	seq.s32 s5, $0x0;
	s5 =	sld [smem:$0x3FB3]  }
0x2b: {  	s6 =	sld [smem:$0x3FB4]  }
0x2c: {  	s7 =	sld [smem:$0x3FB5]  }
0x2d: {  	s3 =	simm.s32 $0x108;
	s8 =	sld [smem:$0x3FB6]  }
0x2e: {  	s3 =	simm.s32 @!p0 $0x1082;
	s9 =	sld [smem:$0x3FB7]  }
0x2f: {  	lr =	sadd.s32 s0, s3;
	s0 =	sld [smem:$0x3FAE]  }
0x30: {  	s3 =	sld [smem:$0x3FB1]  }
0x31: {  	[smem:$0x3FBA] =	sst s10  }
0x32: {  	s10 =	sld [smem:$0x3FB8];
	_ =	sdelay $0x3  }
0x33: {  	p0 =	seq.s32 s10, $0x1;
	s10 =	sld [smem:$0x3FBA];
	_ =	sdelay $0x3  }
0x34: {  	[smem:$0x3FBA] =	sst s10  }
0x35: {  	s10 =	sld [smem:$0x3FB9];
	_ =	sdelay $0x3  }
0x36: {  	p1 =	seq.s32 s10, $0x1;
	s10 =	sld [smem:$0x3FBA];
	_ =	sdelay $0x3  }
0x37: {  	[smem:$0x3FBA] =	sst s10  }
0x38: {  	s10 =	sld [smem:$0x3FBB]  }
0x39: {  	_ = 	snop;
	(pc) =	sbr.ind lr, $3  }
0x3a: {  	_ = 	snop  }
0x3b: {  	_ = 	snop  }
0x3c: {  	p2 =	seq.s32 s10, $0x1;
	s10 =	sld [smem:$0x3FBA]  }
0x3d: {  	_ =	shalt  }
0x3e: {  	_ =	shalt  }
0x3f: {  	_ =	shalt  }
0x40: {  	_ =	shalt  }
0x41: {  	_ =	shalt  }
0x42: {  	_ =	shalt  }
0x43: {  	_ =	shalt  }
0x44: {  	_ =	shalt  }
0x45: {  	_ =	shalt  }
0x46: {  	_ =	shalt  }
0x47: {  	_ =	shalt  }
0x48: {  	_ =	shalt  }
0x49: {  	_ =	shalt  }
0x4a: {  	_ =	shalt  }
0x4b: {  	_ =	shalt  }
0x4c: {  	_ =	shalt  }
0x4d: {  	_ =	shalt  }
0x4e: {  	_ =	shalt  }
0x4f: {  	_ =	shalt  }
0x50: {  	_ =	shalt  }
0x51: {  	_ =	shalt  }
0x52: {  	_ =	shalt  }
0x53: {  	_ =	shalt  }
0x54: {  	_ =	shalt  }
0x55: {  	_ =	shalt  }
0x56: {  	_ =	shalt  }
0x57: {  	_ =	shalt  }
0x58: {  	_ =	shalt  }
0x59: {  	_ =	shalt  }
0x5a: {  	_ =	shalt  }
0x5b: {  	_ =	shalt  }
0x5c: {  	_ =	shalt  }
0x5d: {  	_ =	shalt  }
0x5e: {  	_ =	shalt  }
0x5f: {  	_ =	shalt  }
0x60: {  	_ =	shalt  }
0x61: {  	_ =	shalt  }
0x62: {  	_ =	shalt  }
0x63: {  	_ =	shalt  }
0x64: {  	_ =	shalt  }
0x65: {  	_ =	shalt  }
0x66: {  	_ =	shalt  }
0x67: {  	_ =	shalt  }
0x68: {  	_ =	shalt  }
0x69: {  	_ =	shalt  }
0x6a: {  	_ =	shalt  }
0x6b: {  	_ =	shalt  }
0x6c: {  	_ =	shalt  }
0x6d: {  	_ =	shalt  }
0x6e: {  	_ =	shalt  }
0x6f: {  	_ =	shalt  }
0x70: {  	_ =	shalt  }
0x71: {  	_ =	shalt  }
0x72: {  	_ =	shalt  }
0x73: {  	_ =	shalt  }
0x74: {  	_ =	shalt  }
0x75: {  	_ =	shalt  }
0x76: {  	_ =	shalt  }
0x77: {  	_ =	shalt  }
0x78: {  	_ =	shalt  }
0x79: {  	_ =	shalt  }
0x7a: {  	_ =	shalt  }
0x7b: {  	_ =	shalt  }
0x7c: {  	_ =	shalt  }
0x7d: {  	_ =	shalt  }
0x7e: {  	_ =	shalt  }
0x7f: {  	_ =	shalt  }
0x80: {  	_ =	shalt  }
0x81: {  	_ =	shalt  }
0x82: {  	_ =	shalt  }
0x83: {  	_ =	shalt  }
0x84: {  	_ =	shalt  }
0x85: {  	_ =	shalt  }
0x86: {  	_ =	shalt  }
0x87: {  	_ =	shalt  }
.Lfunc_end0:
.L_simem_size_0:
called_computation_lowered:
.L_overlay_start_0:
0x88: {  	s2 =	sld [smem:$0x3FD9]  }
0x89: {  	s3 =	sld [smem:$0x3FFE];
	_ =	sdelay $0x1  }
0x8a: {  	s1 =	srdreg.scid  }
0x8b: {  	s0 =	sand.u32 $0x1, s1  }
0x8c: {  	s18 =	sshll.u32 s0, $0xA;
	s2 =	sadd.s32 s3, s2  }
0x8d: {  	s2 =	sadd.s32 s2, s18  }
0x8e: {  	[smem:$0x3FC6] =	sst s2  }
0x8f: {  	_ = 	snop  }
0x90: {  	s2 =	sld [smem:$0x3FC9]  }
0x91: {  	s19 =	sld [smem:$0x3FC8]  }
0x92: {  	s4 =	sld [smem:$0x3FD0];
	(tm) =	ssettm $0x1  }
0x93: {  	s5 =	sld [smem:$0x3FFB];
	_ =	sdelay $0x3  }
0x94: {  	_ =	strace s5  }
0x95: {  	s5 =	sld [smem:$0x3FFC];
	_ =	sdelay $0x3  }
0x96: {  	_ =	strace s5  }
0x97: {  	s5 =	sld [smem:$0x3FFD];
	_ =	sdelay $0x3  }
0x98: {  	_ =	strace s5  }
0x99: {  	_ =	strace $0x8FFFFFFF  }
0x9a: {  	s20 =	sld [smem:$0x3FDB];
	_ =	sdelay $0x1  }
0x9b: {  	s6 =	simm.s32 $_scs_section_size  }
0x9c: {  	s7 =	simm.s32 $_size__tile_overlayer_lowered;
	s8 =	simm.s32 $_tile_overlayer_lowered  }
0x9d: {  	s23 =	simm.s32 $0x1BFF;
	s22 =	sshll.u32 s8, $0x1;
	s5 =	sadd.s32 s6, s20  }
0x9e: {  	s9 =	simm.s32 $0x0;
	s21 =	sshll.u32 s7, $0x1;
	s7 =	sadd.s32 s22, s5  }
0x9f: {  	[timem:s9], [sflag:s23] =	dma.local [hbm:s7], s21  }
0xa0: {  	_ =	swait.ge [sflag:s23], s21  }
0xa1: {  	s6 =	ssub.s32 $0x0, s21;
	[sflag:s23] =	ssyncset.done $0x0  }
0xa2: {  	[sflag:s23] =	ssyncadd.s32 s6;
	_ =	sdelay $0x1  }
0xa3: {  	s24 =	simm.s32 $0x1B8B  }
0xa4: {  	_ =	swait.ge [sflag:s24], $0x1  }
0xa5: {  	[sflag:s24] =	ssyncset.done $0x0  }
0xa6: {  	s25 =	simm.s32 $0x1B8E;
	[sflag:s24] =	ssyncadd.s32 $0xFFFFFFFF  }
0xa7: {  	s26 =	simm.s32 $execute0_lowered;
	[smem:$0x3FD2] =	sst s25  }
0xa8: {  	s6 =	sshll.u32 s26, $0x1;
	_ =	strace $0x80000046;
	[dreg:$0x1] =	wrdreg $0xFFFFFFFF  }
0xa9: {  	s28 =	simm.s32 $_size_execute0_lowered;
	s5 =	sadd.s32 s5, s6;
	[dreg:$0x0] =	wrdreg $0x0  }
0xaa: {  	s6 =	sshll.u32 s28, $0x1;
	[dreg:$0x2] =	wrdreg s5  }
0xab: {  	[dreg:$0x3] =	wrdreg s6  }
0xac: {  	[dreg:$0x4] =	wrdreg $0xC0  }
0xad: {  	_ =	task [dreg:s9], $0x5FFFF  }
0xae: {  	[dreg:$0x1] =	wrdreg $0xFFFFFFFF  }
0xaf: {  	[dreg:$0x0] =	wrdreg $0x60  }
0xb0: {  	[dreg:$0x2] =	wrdreg s2  }
0xb1: {  	[dreg:$0x3] =	wrdreg s19  }
0xb2: {  	[dreg:$0x4] =	wrdreg s4  }
0xb3: {  	[dreg:$0x5] =	wrdreg $0x2800  }
0xb4: {  	[dreg:$0x6] =	wrdreg $0x9  }
0xb5: {  	_ =	task.clear_ibuf [dreg:s9], $0x7FFFF;
	_ =	strace $0x90000046  }
0xb6: {  	s29 =	simm.s32 $0x9;
	_ =	strace $0x80000048  }
0xb7: {  	_ =	swait.ge [sflag:s29], $0x1  }
0xb8: {  	[sflag:s29] =	ssyncadd.s32 $0xFFFFFFFF  }
0xb9: {  	_ =	strace $0x90000048  }
0xba: {  	_ =	sfence  }
0xbb: {  	s30 =	sld [smem:$0x0];
	_ =	sdelay $0x2  }
0xbc: {  	s31 =	sshll.u32 s1, $0xD;
	s1 =	sshrl.u32 s1, $0x2  }
0xbd: {  	s3 =	sand.u32 $0x4000, s31;
	s1 =	sadd.s32 s1, s30  }
0xbe: {  	s0 =	sor.u32 s3, s0;
	s1 =	sshll.u32 s1, $0x11  }
0xbf: {  	s0 =	sor.u32 s1, s0  }
0xc0: {  	s0 =	sadd.s32 $0x8F2B, s0  }
0xc1: {  	[sflag:s0] =	ssyncadd.remote.s32 $0x1  }
0xc2: {  	_ =	sfence.sel $0xFFFF  }
0xc3: {  	[dreg:$0x0] =	wrdreg $0xFFFFFFFF;
	(pc) =	sbr.abs _section_cstart, $3  }
0xc4: {  	[dreg:$0x1] =	wrdreg $0xFFFFFFFF  }
0xc5: {  	_ =	task.clear_ibuf [dreg:s9], $0x2FFFF;
	_ =	strace $0x9FFFFFFF  }
0xc6: {  	(tm) =	ssettm $0x7FFFFFFF  }
0xc7: {  	_ =	shalt  }
tec
execute0_lowered:
.L_overlay_start_1:
0x0: {  	(tag) =	ssettag $0x1  }
0x1: {  	s0 =	rddreg [dreg:$0x0]  }
0x2: {  	s1 =	rddreg [dreg:$0x1]  }
0x3: {  	s7 =	rddreg [dreg:$0x2]  }
0x4: {  	s2 =	rddreg [dreg:$0x3];
	s5 =	srdreg.scid  }
0x5: {  	v0 =	vimm.s32 $0xEFCDAB89;
	s4 =	simm.s32 $0x0;
	s3 =	stileid.u32;
	v1 =	vimm.s32 $0x67452301;
	s16 =	simm.s32 $0x390  }
0x6: {  	v2 =	vimm.s32 $0xDCFE98BA;
	v3 =	vimm.s32 $0x54761032;
	s17 =	simm.s32 $0x2;
	s18 =	simm.s32 $0x200;
	s19 =	simm.s32 $0x290  }
0x7: {  	v4 =	vimm.s32 $0xBA98FEDC;
	v5 =	vimm.s32 $0xFEDCBA98;
	s20 =	simm.s32 $0x1;
	s21 =	simm.s32 $0x490;
	s22 =	simm.s32 $0x2490  }
0x8: {  	v6 =	vimm.s32 $0x32107654;
	v7 =	vimm.s32 $0x76543210;
	s23 =	simm.s32 $0x4490;
	s24 =	simm.s32 $0x6490;
	s25 =	simm.s32 $0x0;
	v0 =	vunpack.c.l.s4.s8 v0  }
0x9: {  	s6 =	sand.u32 $0x1, s5;
	[smem:$0x7FF] =	sst s4;
	s5 =	sshll.u32 s3, $0x9;
	v1 =	vunpack.c.l.s4.s8 v1;
	v2 =	vunpack.c.l.s4.s8 v2;
	v3 =	vunpack.c.l.s4.s8 v3  }
0xa: {  	s10 =	sshll.u32 s3, $0x6;
	v5 =	vunpack.c.l.s4.s8 v5;
	v4 =	vunpack.c.l.s4.s8 v4;
	v6 =	vunpack.c.l.s4.s8 v6;
	s8 =	sshll.u32 s6, $0x8;
	_ =	strace $0x80000047  }
0xb: {  	v7 =	vunpack.c.l.s4.s8 v7;
	s9 =	ssub.s32 $0x2, s6;
	s31 =	sshrl.u32 s10, $0x2;
	s6 =	sor.u32 s8, s5;
	v0 =	vunpack.c.0.s8.s32 v0;
	v1 =	vunpack.c.0.s8.s32 v1  }
0xc: {  	s30 =	sshrl.u32 s9, $0x1;
	s8 =	sadd.s32 s0, s10;
	v2 =	vunpack.c.0.s8.s32 v2;
	v3 =	vunpack.c.0.s8.s32 v3;
	v5 =	vunpack.c.0.s8.s32 v5;
	s11 =	sshll.u32 s6, $0x4  }
0xd: {  	v4 =	vunpack.c.0.s8.s32 v4;
	v6 =	vunpack.c.0.s8.s32 v6;
	v7 =	vunpack.c.0.s8.s32 v7;
	s13 =	ssub.s32 s9, s30;
	s9 =	sadd.s32 s31, s2;
	s14 =	sor.u32 $0x83, s6  }
0xe: {  	s15 =	sor.u32 $0xC3, s6;
	s7 =	sadd.s32 s7, s11;
	s13 =	smax.u32 s13, $0x1;
	v0 =	vcombine.low v1, v0;
	v1 =	vcombine.low v3, v2;
	v5 =	vand.u32 $0xF, v5  }
0xf: {  	v2 =	vcombine.low v6, v4;
	v3 =	vlaneseq.u32;
	s10 =	sadd.s32 $0x400, s7;
	s11 =	sadd.s32 $0x800, s7;
	s12 =	sadd.s32 $0xC00, s7;
	v4 =	vcombine.low v5, v7  }
.LBB2_1:
0x10: {  	[tilespmem:s16], [sflag:$0x1] =	stream.linear.gather [hbm4b:s1+s4], $0x100, $0x38;
	[tilespmem:$0x8490] =	vst v63  }
0x11: {  	_ = 	snop  }
0x12: {  	[tilespmem:s4], [sflag:$0x2] =	stream.linear.gather [hbm4b:s8+s4], $0x200, $0x38;
	[tilespmem:$0x8490] =	vst v63  }
0x13: {  	_ =	swait.ge [sflag:s17], $0x200  }
0x14: {  	[sflag:s17] =	ssyncset.done $0x0  }
0x15: {  	s0 =	simm.s32 $0x20;
	[sflag:s17] =	ssyncadd.s32 $0xFFFFFE00  }
0x16: {  	v5 =	vld [tilespmem:s0+$0xFFFFFFE0];
	_ =	sdelay $0x1  }
0x17: {  	v8 =	vld [tilespmem:s0+$0xFFFFFFF0];
	_ =	sdelay $0x1  }
0x18: {  	s28 =	sadd.s32 $0x0, s5;
	v7 =	vld [tilespmem:s0+$0x0]  }
0x19: {  	v6 =	vor.u32 s28, v3;
	vm0 =	veq.s32 v5, $0x66  }
0x1a: {  	v9 =	vimm.s32 $0xFFFFFFFF;
	s26 =	sadd.s32 $0x10, s28;
	v10 =	vnsel vm0, $0xFFFFFFFF, v6;
	v6 =	vld [tilespmem:s0+$0x10]  }
0x1b: {  	v11 =	vor.u32 s26, v3;
	s26 =	simm.s32 $0x60;
	vm1 =	veq.s32 v8, $0x66;
	vm0 =	vgt.s32 v9, v10  }
0x1c: {  	s29 =	simm.s32 $0x40;
	s30 =	simm.s32 $0x80;
	v5 =	vld [tilespmem:s26+$0xFFFFFFE0];
	s0 =	sadd.s32 $0x20, s28;
	v8 =	vsel vm0, v9, v10;
	v9 =	vnsel vm1, $0xFFFFFFFF, v11  }
.LBB2_2:
0x1d: {  	p0 =	sne.s32 s30, $0x1C0;
	vm0 =	vgt.s32 v8, v9;
	v10 =	vor.u32 s0, v3;
	vm1 =	veq.s32 v7, $0x66  }
0x1e: {  	s0 =	sadd.s32 $0x30, s28;
	v11 =	vld [tilespmem:s26+$0xFFFFFFF0];
	v8 =	vsel vm0, v8, v9;
	v9 =	vnsel vm1, $0xFFFFFFFF, v10  }
0x1f: {  	v10 =	vor.u32 s0, v3;
	vm0 =	vgt.s32 v8, v9;
	vm1 =	veq.s32 v6, $0x66  }
.Ltmp0:
0x20: {  	s28 =	sadd.s32 s29, s5;
	s29 =	smov.u32 s30;
	v7 =	vld [tilespmem:s26+$0x0];
	v8 =	vsel vm0, v8, v9;
	v9 =	vnsel vm1, $0xFFFFFFFF, v10;
	(pc) =	sbr.rel @p0 .LBB2_2-.Ltmp0, $4  }
0x21: {  	v6 =	vor.u32 s28, v3;
	vm0 =	veq.s32 v5, $0x66;
	vm1 =	vgt.s32 v8, v9  }
0x22: {  	s0 =	sadd.s32 $0x10, s28;
	v10 =	vnsel vm0, $0xFFFFFFFF, v6;
	v6 =	vld [tilespmem:s26+$0x10];
	v8 =	vsel vm1, v8, v9  }
0x23: {  	v9 =	vor.u32 s0, v3;
	s26 =	sadd.s32 $0x40, s26;
	vm0 =	vgt.s32 v8, v10;
	vm1 =	veq.s32 v11, $0x66  }
0x24: {  	s30 =	sadd.s32 $0x40, s30;
	s0 =	sadd.s32 $0x20, s28;
	v5 =	vld [tilespmem:s26+$0xFFFFFFE0];
	v8 =	vsel vm0, v8, v10;
	v9 =	vnsel vm1, $0xFFFFFFFF, v9  }
0x25: {  	vm0 =	vgt.s32 v8, v9;
	v10 =	vor.u32 s0, v3;
	vm1 =	veq.s32 v7, $0x66  }
0x26: {  	v7 =	vld [tilespmem:s26+$0xFFFFFFF0];
	s30 =	sadd.s32 $0x30, s28;
	v8 =	vsel vm0, v8, v9;
	v9 =	vnsel vm1, $0xFFFFFFFF, v10  }
0x27: {  	v10 =	vor.u32 s30, v3;
	vm0 =	vgt.s32 v8, v9;
	vm8 =	veq.s32 v6, $0x66  }
0x28: {  	s31 =	sadd.s32 s29, s5;
	v6 =	vld [tilespmem:s26+$0x0];
	v8 =	vsel vm0, v8, v9;
	v9 =	vnsel vm8, $0xFFFFFFFF, v10  }
0x29: {  	v10 =	vor.u32 s31, v3;
	vm9 =	veq.s32 v5, $0x66;
	vm1 =	vgt.s32 v8, v9  }
0x2a: {  	s28 =	sadd.s32 $0x10, s31;
	v5 =	vnsel vm9, $0xFFFFFFFF, v10;
	v10 =	vld [tilespmem:s26+$0x10];
	v8 =	vsel vm1, v8, v9  }
0x2b: {  	v9 =	vor.u32 s28, v3;
	vm10 =	veq.s32 v7, $0x66;
	vm0 =	vgt.s32 v8, v5  }
0x2c: {  	s3 =	sadd.s32 $0x20, s31;
	v7 =	vnsel vm10, $0xFFFFFFFF, v9;
	v5 =	vsel vm0, v8, v5  }
0x2d: {  	v8 =	vor.u32 s3, v3;
	vm11 =	veq.s32 v6, $0x66;
	vm0 =	vgt.s32 v5, v7  }
0x2e: {  	s0 =	sadd.s32 $0x30, s31;
	v6 =	vnsel vm11, $0xFFFFFFFF, v8;
	v5 =	vsel vm0, v5, v7  }
0x2f: {  	v7 =	vor.u32 s0, v3;
	vm0 =	vgt.s32 v5, v6;
	vm12 =	veq.s32 v10, $0x66  }
0x30: {  	v5 =	vsel vm0, v5, v6;
	v6 =	vnsel vm12, $0xFFFFFFFF, v7  }
0x31: {  	vm0 =	vgt.s32 v5, v6  }
0x32: {  	v5 =	vsel vm0, v5, v6  }
0x33: {  	[tilespmem:$0x200] =	vst v5  }
0x34: {  	[spmem:s9] =	stream.linear.scatter [tilespmem:s18], [sflag:$0x2], $0x10, $0x38;
	[tilespmem:$0x8490] =	vst v63  }
0x35: {  	_ =	swait.ge [sflag:s17], $0x10  }
0x36: {  	[sflag:s17] =	ssyncset.done $0x0  }
0x37: {  	[sflag:s17] =	ssyncadd.s32 $0xFFFFFFF0  }
0x38: {  	[bflag:$0x0] =	sbarrier.arrive $0xFFFF  }
0x39: {  	[tilespmem:s19], [sflag:$0x2] =	stream.linear.gather [spmem:s2], $0x100, $0x38;
	[tilespmem:$0x8490] =	vst v63  }
0x3a: {  	_ =	swait.ge [sflag:s17], $0x100  }
0x3b: {  	[sflag:s17] =	ssyncset.done $0x0  }
0x3c: {  	[sflag:s17] =	ssyncadd.s32 $0xFFFFFF00  }
0x3d: {  	v5 =	vld [tilespmem:$0x290]  }
0x3e: {  	v6 =	vld [tilespmem:$0x2A0];
	_ =	sdelay $0x1  }
0x3f: {  	v7 =	vld [tilespmem:$0x2B0];
	_ =	sdelay $0x1  }
0x40: {  	v8 =	vld [tilespmem:$0x2C0]  }
0x41: {  	vm13 =	vgt.s32 v5, v6  }
0x42: {  	v5 =	vsel vm13, v5, v6;
	v6 =	vld [tilespmem:$0x2D0]  }
0x43: {  	vm0 =	vgt.s32 v5, v7  }
0x44: {  	v5 =	vsel vm0, v5, v7;
	v7 =	vld [tilespmem:$0x2E0]  }
0x45: {  	vm0 =	vgt.s32 v5, v8  }
0x46: {  	v5 =	vsel vm0, v5, v8;
	v8 =	vld [tilespmem:$0x2F0]  }
0x47: {  	vm0 =	vgt.s32 v5, v6  }
0x48: {  	v5 =	vsel vm0, v5, v6;
	v6 =	vld [tilespmem:$0x300]  }
0x49: {  	vm0 =	vgt.s32 v5, v7  }
0x4a: {  	v5 =	vsel vm0, v5, v7;
	v7 =	vld [tilespmem:$0x310]  }
0x4b: {  	vm0 =	vgt.s32 v5, v8  }
0x4c: {  	v5 =	vsel vm0, v5, v8;
	v8 =	vld [tilespmem:$0x320]  }
0x4d: {  	vm0 =	vgt.s32 v5, v6  }
0x4e: {  	v5 =	vsel vm0, v5, v6;
	v6 =	vld [tilespmem:$0x330]  }
0x4f: {  	vm0 =	vgt.s32 v5, v7  }
0x50: {  	v5 =	vsel vm0, v5, v7;
	v7 =	vld [tilespmem:$0x340]  }
0x51: {  	vm0 =	vgt.s32 v5, v8  }
0x52: {  	v5 =	vsel vm0, v5, v8;
	v8 =	vld [tilespmem:$0x350]  }
0x53: {  	vm0 =	vgt.s32 v5, v6  }
0x54: {  	v5 =	vsel vm0, v5, v6;
	v6 =	vld [tilespmem:$0x360]  }
0x55: {  	vm0 =	vgt.s32 v5, v7  }
0x56: {  	v5 =	vsel vm0, v5, v7;
	v7 =	vld [tilespmem:$0x370]  }
0x57: {  	vm0 =	vgt.s32 v5, v8  }
0x58: {  	v5 =	vsel vm0, v5, v8;
	v8 =	vld [tilespmem:$0x380]  }
0x59: {  	vm0 =	vgt.s32 v5, v6  }
0x5a: {  	v5 =	vsel vm0, v5, v6  }
0x5b: {  	vm0 =	vgt.s32 v5, v7  }
0x5c: {  	v5 =	vsel vm0, v5, v7  }
0x5d: {  	vm0 =	vgt.s32 v5, v8  }
0x5e: {  	v5 =	vsel vm0, v5, v8  }
0x5f: {  	v6 =	vperm.xlane v5, v0;
	_ =	sdelay $0x1  }
0x60: {  	_ =	swait.ge [sflag:s20], $0x100;
	vm0 =	vgt.s32 v5, v6  }
0x61: {  	[sflag:s20] =	ssyncset.done $0x0;
	v5 =	vsel vm0, v5, v6  }
0x62: {  	[sflag:s20] =	ssyncadd.s32 $0xFFFFFF00;
	v6 =	vperm.xlane v5, v1  }
0x63: {  	v12 =	vld [tilespmem:$0x390]  }
0x64: {  	v9 =	vld [tilespmem:$0x3B0];
	vm0 =	vgt.s32 v5, v6  }
0x65: {  	v10 =	vld [tilespmem:$0x3C0];
	v7 =	vsel vm0, v5, v6  }
0x66: {  	v11 =	vld [tilespmem:$0x3D0];
	v13 =	vperm.xlane v7, v2  }
0x67: {  	v15 =	vld [tilespmem:$0x410]  }
0x68: {  	v14 =	vld [tilespmem:$0x420];
	vm0 =	vgt.s32 v7, v13  }
0x69: {  	v19 =	vld [tilespmem:$0x460];
	v16 =	vsel vm0, v7, v13  }
0x6a: {  	v8 =	vld [tilespmem:$0x3A0];
	v17 =	vperm.xlane v16, v4  }
0x6b: {  	v7 =	vld [tilespmem:$0x400]  }
0x6c: {  	v13 =	vld [tilespmem:$0x480];
	vm0 =	vgt.s32 v16, v17  }
0x6d: {  	s30 =	sadd.s32 $0x0, s6;
	v5 =	vld [tilespmem:$0x3E0];
	v18 =	vsel vm0, v16, v17  }
0x6e: {  	s31 =	sadd.s32 $0x3, s30;
	v6 =	vld [tilespmem:$0x3F0];
	vm0 =	vlt.s32 v18, $0x0  }
0x6f: {  	v20 =	vmov s31;
	s28 =	sadd.s32 $0x1, s30;
	v16 =	vld [tilespmem:$0x430];
	v21 =	vsel vm0, $0x2000, v18  }
0x70: {  	v22 =	vmov s28;
	v17 =	vld [tilespmem:$0x440];
	vm0 =	vlt.s32 v20, v21  }
0x71: {  	s26 =	simm.s32 $0x590;
	v18 =	vld [tilespmem:$0x450];
	vm14 =	vlt.s32 v22, v21;
	v22 =	vsel vm0, v7, v13  }
0x72: {  	v20 =	vld [tilespmem:$0x470];
	v23 =	vsel vm14, v12, v15;
	[tilespmem:s26+$0xF0] =	vst v22  }
0x73: {  	v22 =	vsel vm14, v8, v14;
	[tilespmem:s26+$0xFFFFFF80] =	vst v23  }
0x74: {  	v23 =	vsel vm14, v9, v16;
	[tilespmem:s26+$0xFFFFFF90] =	vst v22  }
0x75: {  	v22 =	vsel vm14, v10, v17;
	[tilespmem:s26+$0xFFFFFFA0] =	vst v23  }
0x76: {  	v23 =	vsel vm14, v11, v18;
	[tilespmem:s26+$0xFFFFFFB0] =	vst v22  }
0x77: {  	v22 =	vsel vm14, v5, v19;
	[tilespmem:s26+$0xFFFFFFC0] =	vst v23  }
0x78: {  	s28 =	sadd.s32 $0x2, s30;
	v24 =	vsel vm14, v6, v20;
	[tilespmem:s26+$0xFFFFFFD0] =	vst v22  }
0x79: {  	v23 =	vmov s28;
	v22 =	vsel vm14, v7, v13;
	[tilespmem:s26+$0xFFFFFFE0] =	vst v24  }
0x7a: {  	vm2 =	vlt.s32 v23, v21;
	[tilespmem:s26+$0xFFFFFFF0] =	vst v22;
	v24 =	vsel vm0, v5, v19  }
0x7b: {  	v23 =	vsel vm2, v12, v15;
	[tilespmem:s26+$0xD0] =	vst v24  }
0x7c: {  	v22 =	vsel vm2, v8, v14;
	[tilespmem:s26+$0x0] =	vst v23  }
0x7d: {  	v23 =	vsel vm2, v9, v16;
	[tilespmem:s26+$0x10] =	vst v22  }
0x7e: {  	v22 =	vsel vm2, v10, v17;
	[tilespmem:s26+$0x20] =	vst v23  }
0x7f: {  	v23 =	vsel vm2, v11, v18;
	[tilespmem:s26+$0x30] =	vst v22  }
0x80: {  	v22 =	vsel vm2, v5, v19;
	[tilespmem:s26+$0x40] =	vst v23  }
0x81: {  	v23 =	vsel vm2, v6, v20;
	[tilespmem:s26+$0x50] =	vst v22  }
0x82: {  	v22 =	vsel vm2, v7, v13;
	[tilespmem:s26+$0x60] =	vst v23  }
0x83: {  	v23 =	vsel vm0, v12, v15;
	[tilespmem:s26+$0x70] =	vst v22  }
0x84: {  	v22 =	vsel vm0, v8, v14;
	[tilespmem:s26+$0x80] =	vst v23  }
0x85: {  	v23 =	vsel vm0, v9, v16;
	[tilespmem:s26+$0x90] =	vst v22  }
0x86: {  	v22 =	vsel vm0, v10, v17;
	[tilespmem:s26+$0xA0] =	vst v23  }
0x87: {  	v23 =	vsel vm0, v11, v18;
	[tilespmem:s26+$0xB0] =	vst v22;
	v22 =	vmov s30  }
0x88: {  	[tilespmem:s26+$0xC0] =	vst v23;
	vm15 =	vlt.s32 v22, v21;
	v22 =	vsel vm0, v6, v20  }
0x89: {  	v23 =	vsel vm15, v12, v15;
	[tilespmem:s26+$0xE0] =	vst v22  }
0x8a: {  	v22 =	vsel vm15, v8, v14;
	[tilespmem:s26+$0xFFFFFF00] =	vst v23  }
0x8b: {  	v26 =	vsel vm15, v10, v17;
	[tilespmem:s26+$0xFFFFFF10] =	vst v22  }
0x8c: {  	v25 =	vsel vm15, v11, v18;
	v23 =	vsel vm15, v9, v16;
	[tilespmem:s26+$0xFFFFFF30] =	vst v26  }
0x8d: {  	s29 =	sadd.s32 $0x4, s6;
	s28 =	simm.s32 $0x8;
	v24 =	vsel vm15, v5, v19;
	v22 =	vsel vm15, v7, v13;
	[tilespmem:s26+$0xFFFFFF20] =	vst v23;
	v23 =	vsel vm15, v6, v20  }
.LBB2_4:
0x8e: {  	p0 =	sne.s32 s28, $0x3C;
	v26 =	vmov s29;
	s0 =	sadd.s32 $0x1, s29;
	s30 =	sadd.s32 $0x3, s29;
	[tilespmem:s26+$0xFFFFFF40] =	vst v25  }
0x8f: {  	vm0 =	vlt.s32 v26, v21;
	v25 =	vmov s0;
	s0 =	sadd.s32 $0x2, s29;
	v26 =	vmov s30;
	[tilespmem:s26+$0xFFFFFF50] =	vst v24  }
0x90: {  	vm2 =	vlt.s32 v25, v21;
	v24 =	vmov s0;
	vm1 =	vlt.s32 v26, v21;
	[tilespmem:s26+$0xFFFFFF60] =	vst v23  }
0x91: {  	v23 =	vsel vm2, v12, v15;
	vm3 =	vlt.s32 v24, v21;
	v24 =	vsel vm1, v7, v13;
	[tilespmem:s26+$0xFFFFFF70] =	vst v22;
	s26 =	sadd.s32 $0x200, s26  }
0x92: {  	v22 =	vsel vm2, v8, v14;
	v25 =	vsel vm2, v9, v16;
	v26 =	vsel vm2, v10, v17;
	[tilespmem:s26+$0xF0] =	vst v24  }
0x93: {  	v27 =	vsel vm2, v6, v20;
	v24 =	vsel vm2, v5, v19;
	[tilespmem:s26+$0xFFFFFF80] =	vst v23;
	v23 =	vsel vm2, v11, v18  }
0x94: {  	v28 =	vsel vm3, v12, v15;
	v29 =	vsel vm3, v8, v14;
	[tilespmem:s26+$0xFFFFFF90] =	vst v22;
	v22 =	vsel vm2, v7, v13  }
0x95: {  	v30 =	vsel vm3, v9, v16;
	v31 =	vsel vm3, v10, v17;
	v32 =	vsel vm3, v11, v18;
	[tilespmem:s26+$0xFFFFFFA0] =	vst v25  }
0x96: {  	v33 =	vsel vm3, v6, v20;
	v34 =	vsel vm3, v7, v13;
	[tilespmem:s26+$0xFFFFFFB0] =	vst v26;
	v26 =	vsel vm3, v5, v19  }
0x97: {  	v35 =	vsel vm1, v12, v15;
	v36 =	vsel vm1, v8, v14;
	v37 =	vsel vm1, v9, v16;
	[tilespmem:s26+$0xFFFFFFC0] =	vst v23  }
0x98: {  	v38 =	vsel vm1, v10, v17;
	v39 =	vsel vm1, v11, v18;
	v40 =	vsel vm1, v5, v19;
	[tilespmem:s26+$0xFFFFFFD0] =	vst v24  }
0x99: {  	v41 =	vsel vm0, v12, v15;
	v42 =	vsel vm0, v8, v14;
	[tilespmem:s26+$0xFFFFFFE0] =	vst v27;
	v27 =	vsel vm1, v6, v20  }
0x9a: {  	v43 =	vsel vm0, v9, v16;
	v44 =	vsel vm0, v10, v17;
	v25 =	vsel vm0, v11, v18;
	[tilespmem:s26+$0xFFFFFFF0] =	vst v22  }
0x9b: {  	v23 =	vsel vm0, v6, v20;
	v24 =	vsel vm0, v5, v19;
	v22 =	vsel vm0, v7, v13;
	[tilespmem:s26+$0x0] =	vst v28  }
0x9c: {  	[tilespmem:s26+$0x10] =	vst v29  }
0x9d: {  	[tilespmem:s26+$0x20] =	vst v30  }
0x9e: {  	[tilespmem:s26+$0x30] =	vst v31  }
0x9f: {  	[tilespmem:s26+$0x40] =	vst v32  }
0xa0: {  	[tilespmem:s26+$0x50] =	vst v26  }
0xa1: {  	[tilespmem:s26+$0x60] =	vst v33  }
0xa2: {  	[tilespmem:s26+$0x70] =	vst v34  }
0xa3: {  	[tilespmem:s26+$0x80] =	vst v35  }
0xa4: {  	[tilespmem:s26+$0x90] =	vst v36  }
0xa5: {  	[tilespmem:s26+$0xA0] =	vst v37  }
0xa6: {  	[tilespmem:s26+$0xB0] =	vst v38  }
0xa7: {  	[tilespmem:s26+$0xC0] =	vst v39  }
0xa8: {  	[tilespmem:s26+$0xD0] =	vst v40  }
.Ltmp1:
0xa9: {  	[tilespmem:s26+$0xE0] =	vst v27;
	(pc) =	sbr.rel @p0 .LBB2_4-.Ltmp1, $4  }
0xaa: {  	[tilespmem:s26+$0xFFFFFF00] =	vst v41  }
0xab: {  	[tilespmem:s26+$0xFFFFFF10] =	vst v42  }
0xac: {  	[tilespmem:s26+$0xFFFFFF20] =	vst v43  }
0xad: {  	s29 =	sadd.s32 s28, s6;
	s28 =	sadd.s32 $0x4, s28;
	[tilespmem:s26+$0xFFFFFF30] =	vst v44  }
0xae: {  	s0 =	sadd.s32 $0x3, s29;
	[tilespmem:s26+$0xFFFFFF40] =	vst v25  }
0xaf: {  	s28 =	sadd.s32 $0x1, s29;
	[tilespmem:s26+$0xFFFFFF50] =	vst v24;
	v25 =	vmov s0  }
0xb0: {  	[tilespmem:s26+$0xFFFFFF60] =	vst v23;
	v24 =	vmov s28;
	vm0 =	vlt.s32 v25, v21  }
0xb1: {  	[tilespmem:s26+$0xFFFFFF70] =	vst v22;
	s31 =	sadd.s32 $0x200, s26;
	vm1 =	vlt.s32 v24, v21;
	v23 =	vsel vm0, v7, v13  }
0xb2: {  	v22 =	vsel vm1, v12, v15;
	[tilespmem:s31+$0xF0] =	vst v23  }
0xb3: {  	v24 =	vsel vm1, v6, v20;
	[tilespmem:s31+$0xFFFFFF80] =	vst v22  }
0xb4: {  	v23 =	vsel vm1, v8, v14;
	[tilespmem:s31+$0xFFFFFFE0] =	vst v24  }
0xb5: {  	v22 =	vsel vm1, v9, v16;
	[tilespmem:s31+$0xFFFFFF90] =	vst v23  }
0xb6: {  	v24 =	vsel vm0, v5, v19;
	[tilespmem:s31+$0xFFFFFFA0] =	vst v22  }
0xb7: {  	v23 =	vsel vm1, v10, v17;
	[tilespmem:s31+$0xD0] =	vst v24  }
0xb8: {  	s3 =	sadd.s32 $0x2, s29;
	v22 =	vsel vm1, v11, v18;
	[tilespmem:s31+$0xFFFFFFB0] =	vst v23  }
0xb9: {  	v23 =	vsel vm1, v5, v19;
	[tilespmem:s31+$0xFFFFFFC0] =	vst v22;
	v22 =	vmov s3  }
0xba: {  	[tilespmem:s31+$0xFFFFFFD0] =	vst v23;
	vm2 =	vlt.s32 v22, v21;
	v22 =	vsel vm1, v7, v13  }
0xbb: {  	v23 =	vsel vm2, v12, v15;
	[tilespmem:s31+$0xFFFFFFF0] =	vst v22  }
0xbc: {  	v22 =	vsel vm2, v8, v14;
	[tilespmem:s31+$0x0] =	vst v23  }
0xbd: {  	v23 =	vsel vm2, v9, v16;
	[tilespmem:s31+$0x10] =	vst v22  }
0xbe: {  	v22 =	vsel vm2, v10, v17;
	[tilespmem:s31+$0x20] =	vst v23  }
0xbf: {  	v23 =	vsel vm2, v11, v18;
	[tilespmem:s31+$0x30] =	vst v22  }
0xc0: {  	v22 =	vsel vm2, v5, v19;
	[tilespmem:s31+$0x40] =	vst v23  }
0xc1: {  	v23 =	vsel vm2, v6, v20;
	[tilespmem:s31+$0x50] =	vst v22  }
0xc2: {  	v22 =	vsel vm2, v7, v13;
	[tilespmem:s31+$0x60] =	vst v23  }
0xc3: {  	v23 =	vsel vm0, v12, v15;
	[tilespmem:s31+$0x70] =	vst v22  }
0xc4: {  	v22 =	vsel vm0, v8, v14;
	[tilespmem:s31+$0x80] =	vst v23  }
0xc5: {  	v23 =	vsel vm0, v9, v16;
	[tilespmem:s31+$0x90] =	vst v22  }
0xc6: {  	v22 =	vsel vm0, v10, v17;
	[tilespmem:s31+$0xA0] =	vst v23  }
0xc7: {  	v23 =	vsel vm0, v11, v18;
	[tilespmem:s31+$0xB0] =	vst v22;
	v22 =	vmov s29  }
0xc8: {  	[tilespmem:s31+$0xC0] =	vst v23;
	vm11 =	vlt.s32 v22, v21;
	v22 =	vsel vm0, v6, v20  }
0xc9: {  	v23 =	vsel vm11, v12, v15;
	[tilespmem:s31+$0xE0] =	vst v22  }
0xca: {  	v22 =	vsel vm11, v8, v14;
	[tilespmem:s31+$0xFFFFFF00] =	vst v23  }
0xcb: {  	v23 =	vsel vm11, v9, v16;
	[tilespmem:s31+$0xFFFFFF10] =	vst v22  }
0xcc: {  	v22 =	vsel vm11, v10, v17;
	[tilespmem:s31+$0xFFFFFF20] =	vst v23  }
0xcd: {  	v23 =	vsel vm11, v11, v18;
	[tilespmem:s31+$0xFFFFFF30] =	vst v22  }
0xce: {  	s30 =	sadd.s32 $0x0, s6;
	v22 =	vsel vm11, v5, v19;
	[tilespmem:s31+$0xFFFFFF40] =	vst v23  }
0xcf: {  	s28 =	sadd.s32 $0x43, s30;
	[tilespmem:s31+$0xFFFFFF50] =	vst v22;
	v22 =	vsel vm11, v7, v13  }
0xd0: {  	s29 =	sadd.s32 $0x40, s30;
	v23 =	vsel vm11, v6, v20;
	[tilespmem:s31+$0xFFFFFF70] =	vst v22;
	v22 =	vmov s28  }
0xd1: {  	s26 =	simm.s32 $0x2680;
	[tilespmem:s31+$0xFFFFFF60] =	vst v23;
	s31 =	simm.s32 $0x0;
	v23 =	vmov s29;
	vm12 =	vlt.s32 v22, v21  }
0xd2: {  	[hbm4b:s7+s31] =	stream.linear.scatter [tilespmem:s21], [sflag:$0x1], $0x2000, $0x38;
	vm13 =	vlt.s32 v23, v21;
	v22 =	vsel vm12, v7, v13;
	[tilespmem:$0x8490] =	vst v63  }
0xd3: {  	v23 =	vsel vm13, v12, v15;
	[tilespmem:s26+$0x0] =	vst v22  }
0xd4: {  	v24 =	vsel vm13, v6, v20;
	[tilespmem:s26+$0xFFFFFE10] =	vst v23  }
0xd5: {  	v26 =	vsel vm12, v9, v16;
	[tilespmem:s26+$0xFFFFFE70] =	vst v24  }
0xd6: {  	v22 =	vsel vm13, v8, v14;
	[tilespmem:s26+$0xFFFFFFB0] =	vst v26  }
0xd7: {  	v23 =	vsel vm13, v9, v16;
	[tilespmem:s26+$0xFFFFFE20] =	vst v22  }
0xd8: {  	v22 =	vsel vm13, v10, v17;
	[tilespmem:s26+$0xFFFFFE30] =	vst v23  }
0xd9: {  	s28 =	sadd.s32 $0x41, s30;
	v23 =	vsel vm13, v11, v18;
	[tilespmem:s26+$0xFFFFFE40] =	vst v22  }
0xda: {  	v22 =	vsel vm13, v5, v19;
	[tilespmem:s26+$0xFFFFFE50] =	vst v23;
	v23 =	vmov s28  }
0xdb: {  	[tilespmem:s26+$0xFFFFFE60] =	vst v22;
	vm14 =	vlt.s32 v23, v21;
	v22 =	vsel vm13, v7, v13  }
0xdc: {  	v23 =	vsel vm14, v12, v15;
	[tilespmem:s26+$0xFFFFFE80] =	vst v22  }
0xdd: {  	v22 =	vsel vm14, v8, v14;
	[tilespmem:s26+$0xFFFFFE90] =	vst v23  }
0xde: {  	v24 =	vsel vm14, v6, v20;
	[tilespmem:s26+$0xFFFFFEA0] =	vst v22  }
0xdf: {  	v23 =	vsel vm14, v9, v16;
	[tilespmem:s26+$0xFFFFFEF0] =	vst v24  }
0xe0: {  	v22 =	vsel vm14, v10, v17;
	[tilespmem:s26+$0xFFFFFEB0] =	vst v23  }
0xe1: {  	s0 =	sadd.s32 $0x42, s30;
	v23 =	vsel vm14, v11, v18;
	[tilespmem:s26+$0xFFFFFEC0] =	vst v22  }
0xe2: {  	v22 =	vsel vm14, v5, v19;
	[tilespmem:s26+$0xFFFFFED0] =	vst v23;
	v23 =	vmov s0  }
0xe3: {  	[tilespmem:s26+$0xFFFFFEE0] =	vst v22;
	v22 =	vsel vm14, v7, v13;
	vm15 =	vlt.s32 v23, v21  }
0xe4: {  	[tilespmem:s26+$0xFFFFFF00] =	vst v22;
	v23 =	vsel vm15, v12, v15  }
0xe5: {  	v22 =	vsel vm15, v8, v14;
	[tilespmem:s26+$0xFFFFFF10] =	vst v23  }
0xe6: {  	v23 =	vsel vm15, v9, v16;
	[tilespmem:s26+$0xFFFFFF20] =	vst v22  }
0xe7: {  	v22 =	vsel vm15, v10, v17;
	[tilespmem:s26+$0xFFFFFF30] =	vst v23  }
0xe8: {  	v23 =	vsel vm15, v11, v18;
	[tilespmem:s26+$0xFFFFFF40] =	vst v22  }
0xe9: {  	v22 =	vsel vm15, v5, v19;
	[tilespmem:s26+$0xFFFFFF50] =	vst v23  }
0xea: {  	v23 =	vsel vm15, v6, v20;
	[tilespmem:s26+$0xFFFFFF60] =	vst v22  }
0xeb: {  	v22 =	vsel vm15, v7, v13;
	[tilespmem:s26+$0xFFFFFF70] =	vst v23  }
0xec: {  	v23 =	vsel vm12, v12, v15;
	[tilespmem:s26+$0xFFFFFF80] =	vst v22  }
0xed: {  	v25 =	vsel vm12, v10, v17;
	v22 =	vsel vm12, v8, v14;
	[tilespmem:s26+$0xFFFFFF90] =	vst v23  }
0xee: {  	s29 =	sadd.s32 $0x4, s6;
	s28 =	simm.s32 $0x8;
	v24 =	vsel vm12, v11, v18;
	[tilespmem:s26+$0xFFFFFFA0] =	vst v22;
	v23 =	vsel vm12, v5, v19;
	v22 =	vsel vm12, v6, v20  }
.LBB2_6:
0xef: {  	p0 =	sne.s32 s28, $0x3C;
	s0 =	sadd.s32 $0x40, s29;
	s30 =	sadd.s32 $0x43, s29;
	[tilespmem:s26+$0xFFFFFFC0] =	vst v25  }
0xf0: {  	v25 =	vmov s0;
	s0 =	sadd.s32 $0x41, s29;
	s29 =	sadd.s32 $0x42, s29;
	v26 =	vmov s30;
	[tilespmem:s26+$0xFFFFFFD0] =	vst v24  }
0xf1: {  	v24 =	vmov s0;
	v27 =	vmov s29;
	vm0 =	vlt.s32 v26, v21;
	[tilespmem:s26+$0xFFFFFFE0] =	vst v23  }
0xf2: {  	vm2 =	vlt.s32 v25, v21;
	vm3 =	vlt.s32 v24, v21;
	v23 =	vsel vm0, v7, v13;
	[tilespmem:s26+$0xFFFFFFF0] =	vst v22;
	s26 =	sadd.s32 $0x200, s26  }
0xf3: {  	v22 =	vsel vm2, v12, v15;
	v24 =	vsel vm2, v8, v14;
	vm1 =	vlt.s32 v27, v21;
	[tilespmem:s26+$0x0] =	vst v23  }
0xf4: {  	v25 =	vsel vm2, v11, v18;
	v23 =	vsel vm2, v10, v17;
	[tilespmem:s26+$0xFFFFFE10] =	vst v22;
	v22 =	vsel vm2, v9, v16  }
0xf5: {  	v26 =	vsel vm2, v6, v20;
	v27 =	vsel vm2, v7, v13;
	[tilespmem:s26+$0xFFFFFE20] =	vst v24;
	v24 =	vsel vm2, v5, v19  }
0xf6: {  	v28 =	vsel vm3, v8, v14;
	v29 =	vsel vm3, v9, v16;
	[tilespmem:s26+$0xFFFFFE30] =	vst v22;
	v22 =	vsel vm3, v12, v15  }
0xf7: {  	v30 =	vsel vm3, v10, v17;
	v31 =	vsel vm3, v11, v18;
	v32 =	vsel vm3, v5, v19;
	[tilespmem:s26+$0xFFFFFE40] =	vst v23  }
0xf8: {  	v33 =	vsel vm3, v6, v20;
	v34 =	vsel vm3, v7, v13;
	v35 =	vsel vm1, v12, v15;
	[tilespmem:s26+$0xFFFFFE50] =	vst v25  }
0xf9: {  	v36 =	vsel vm1, v8, v14;
	v37 =	vsel vm1, v9, v16;
	v38 =	vsel vm1, v10, v17;
	[tilespmem:s26+$0xFFFFFE60] =	vst v24  }
0xfa: {  	v39 =	vsel vm1, v5, v19;
	v40 =	vsel vm1, v6, v20;
	[tilespmem:s26+$0xFFFFFE70] =	vst v26;
	v26 =	vsel vm1, v11, v18  }
0xfb: {  	v41 =	vsel vm0, v12, v15;
	v42 =	vsel vm0, v8, v14;
	[tilespmem:s26+$0xFFFFFE80] =	vst v27;
	v27 =	vsel vm1, v7, v13  }
0xfc: {  	v43 =	vsel vm0, v9, v16;
	v25 =	vsel vm0, v10, v17;
	v24 =	vsel vm0, v11, v18;
	[tilespmem:s26+$0xFFFFFE90] =	vst v22  }
0xfd: {  	v23 =	vsel vm0, v5, v19;
	v22 =	vsel vm0, v6, v20;
	[tilespmem:s26+$0xFFFFFEA0] =	vst v28  }
0xfe: {  	[tilespmem:s26+$0xFFFFFEB0] =	vst v29  }
0xff: {  	[tilespmem:s26+$0xFFFFFEC0] =	vst v30  }
0x100: {  	[tilespmem:s26+$0xFFFFFED0] =	vst v31  }
0x101: {  	[tilespmem:s26+$0xFFFFFEE0] =	vst v32  }
0x102: {  	[tilespmem:s26+$0xFFFFFEF0] =	vst v33  }
0x103: {  	[tilespmem:s26+$0xFFFFFF00] =	vst v34  }
0x104: {  	[tilespmem:s26+$0xFFFFFF10] =	vst v35  }
0x105: {  	[tilespmem:s26+$0xFFFFFF20] =	vst v36  }
0x106: {  	[tilespmem:s26+$0xFFFFFF30] =	vst v37  }
0x107: {  	[tilespmem:s26+$0xFFFFFF40] =	vst v38  }
0x108: {  	[tilespmem:s26+$0xFFFFFF50] =	vst v26  }
0x109: {  	[tilespmem:s26+$0xFFFFFF60] =	vst v39  }
.Ltmp2:
0x10a: {  	[tilespmem:s26+$0xFFFFFF70] =	vst v40;
	(pc) =	sbr.rel @p0 .LBB2_6-.Ltmp2, $4  }
0x10b: {  	[tilespmem:s26+$0xFFFFFF80] =	vst v27  }
0x10c: {  	[tilespmem:s26+$0xFFFFFF90] =	vst v41  }
0x10d: {  	[tilespmem:s26+$0xFFFFFFA0] =	vst v42  }
0x10e: {  	s29 =	sadd.s32 s28, s6;
	s28 =	sadd.s32 $0x4, s28;
	[tilespmem:s26+$0xFFFFFFB0] =	vst v43  }
0x10f: {  	s0 =	sadd.s32 $0x43, s29;
	[tilespmem:s26+$0xFFFFFFC0] =	vst v25  }
0x110: {  	s28 =	sadd.s32 $0x40, s29;
	[tilespmem:s26+$0xFFFFFFD0] =	vst v24;
	v25 =	vmov s0  }
0x111: {  	[tilespmem:s26+$0xFFFFFFE0] =	vst v23;
	v24 =	vmov s28;
	vm0 =	vlt.s32 v25, v21  }
0x112: {  	[tilespmem:s26+$0xFFFFFFF0] =	vst v22;
	s26 =	sadd.s32 $0x200, s26;
	vm1 =	vlt.s32 v24, v21;
	v23 =	vsel vm0, v7, v13  }
0x113: {  	v22 =	vsel vm1, v12, v15;
	[tilespmem:s26+$0x0] =	vst v23  }
0x114: {  	v24 =	vsel vm1, v6, v20;
	[tilespmem:s26+$0xFFFFFE10] =	vst v22  }
0x115: {  	v23 =	vsel vm1, v8, v14;
	[tilespmem:s26+$0xFFFFFE70] =	vst v24  }
0x116: {  	v22 =	vsel vm1, v9, v16;
	[tilespmem:s26+$0xFFFFFE20] =	vst v23  }
0x117: {  	v23 =	vsel vm1, v10, v17;
	[tilespmem:s26+$0xFFFFFE30] =	vst v22  }
0x118: {  	s3 =	sadd.s32 $0x41, s29;
	v22 =	vsel vm1, v11, v18;
	[tilespmem:s26+$0xFFFFFE40] =	vst v23  }
0x119: {  	v23 =	vsel vm1, v5, v19;
	[tilespmem:s26+$0xFFFFFE50] =	vst v22;
	v22 =	vmov s3  }
0x11a: {  	[tilespmem:s26+$0xFFFFFE60] =	vst v23;
	vm2 =	vlt.s32 v22, v21;
	v22 =	vsel vm1, v7, v13  }
0x11b: {  	v23 =	vsel vm2, v12, v15;
	[tilespmem:s26+$0xFFFFFE80] =	vst v22  }
0x11c: {  	v22 =	vsel vm2, v8, v14;
	[tilespmem:s26+$0xFFFFFE90] =	vst v23  }
0x11d: {  	v24 =	vsel vm2, v6, v20;
	[tilespmem:s26+$0xFFFFFEA0] =	vst v22  }
0x11e: {  	v23 =	vsel vm2, v9, v16;
	[tilespmem:s26+$0xFFFFFEF0] =	vst v24  }
0x11f: {  	v22 =	vsel vm2, v10, v17;
	[tilespmem:s26+$0xFFFFFEB0] =	vst v23  }
0x120: {  	s3 =	sadd.s32 $0x42, s29;
	v23 =	vsel vm2, v11, v18;
	[tilespmem:s26+$0xFFFFFEC0] =	vst v22  }
0x121: {  	v22 =	vsel vm2, v5, v19;
	[tilespmem:s26+$0xFFFFFED0] =	vst v23;
	v23 =	vmov s3  }
0x122: {  	[tilespmem:s26+$0xFFFFFEE0] =	vst v22;
	v22 =	vsel vm2, v7, v13;
	vm11 =	vlt.s32 v23, v21  }
0x123: {  	[tilespmem:s26+$0xFFFFFF00] =	vst v22;
	v23 =	vsel vm11, v12, v15  }
0x124: {  	v22 =	vsel vm11, v8, v14;
	[tilespmem:s26+$0xFFFFFF10] =	vst v23  }
0x125: {  	v23 =	vsel vm11, v9, v16;
	[tilespmem:s26+$0xFFFFFF20] =	vst v22  }
0x126: {  	v22 =	vsel vm11, v10, v17;
	[tilespmem:s26+$0xFFFFFF30] =	vst v23  }
0x127: {  	v23 =	vsel vm11, v11, v18;
	[tilespmem:s26+$0xFFFFFF40] =	vst v22  }
0x128: {  	v22 =	vsel vm11, v5, v19;
	[tilespmem:s26+$0xFFFFFF50] =	vst v23  }
0x129: {  	v23 =	vsel vm11, v6, v20;
	[tilespmem:s26+$0xFFFFFF60] =	vst v22  }
0x12a: {  	v22 =	vsel vm11, v7, v13;
	[tilespmem:s26+$0xFFFFFF70] =	vst v23  }
0x12b: {  	v23 =	vsel vm0, v12, v15;
	[tilespmem:s26+$0xFFFFFF80] =	vst v22  }
0x12c: {  	v22 =	vsel vm0, v8, v14;
	[tilespmem:s26+$0xFFFFFF90] =	vst v23  }
0x12d: {  	v23 =	vsel vm0, v9, v16;
	[tilespmem:s26+$0xFFFFFFA0] =	vst v22  }
0x12e: {  	v22 =	vsel vm0, v10, v17;
	[tilespmem:s26+$0xFFFFFFB0] =	vst v23  }
0x12f: {  	v23 =	vsel vm0, v11, v18;
	[tilespmem:s26+$0xFFFFFFC0] =	vst v22  }
0x130: {  	s0 =	sadd.s32 $0xFFFFFFFF, s14;
	v22 =	vsel vm0, v5, v19;
	[tilespmem:s26+$0xFFFFFFD0] =	vst v23  }
0x131: {  	s28 =	sadd.s32 $0xFFFFFFFD, s14;
	v23 =	vsel vm0, v6, v20;
	[tilespmem:s26+$0xFFFFFFE0] =	vst v22;
	v22 =	vmov s0  }
0x132: {  	s3 =	simm.s32 $0x0;
	[tilespmem:s26+$0xFFFFFFF0] =	vst v23;
	v23 =	vmov s28;
	vm12 =	vlt.s32 v22, v21;
	s26 =	simm.s32 $0x0  }
0x133: {  	[hbm4b:s10+s3] =	stream.linear.scatter [tilespmem:s22], [sflag:$0x1], $0x2000, $0x38;
	vm13 =	vlt.s32 v23, v21;
	v22 =	vsel vm12, v7, v13;
	[tilespmem:$0x8490] =	vst v63  }
0x134: {  	v23 =	vsel vm13, v12, v15;
	[tilespmem:s26+$0x4600] =	vst v22  }
0x135: {  	v22 =	vsel vm13, v8, v14;
	[tilespmem:s26+$0x4490] =	vst v23  }
0x136: {  	v24 =	vsel vm13, v6, v20;
	[tilespmem:s26+$0x44A0] =	vst v22  }
0x137: {  	v23 =	vsel vm13, v9, v16;
	[tilespmem:s26+$0x44F0] =	vst v24  }
0x138: {  	v22 =	vsel vm13, v10, v17;
	[tilespmem:s26+$0x44B0] =	vst v23  }
0x139: {  	v24 =	vsel vm12, v5, v19;
	[tilespmem:s26+$0x44C0] =	vst v22  }
0x13a: {  	s3 =	sadd.s32 $0xFFFFFFFE, s14;
	v23 =	vsel vm13, v11, v18;
	[tilespmem:s26+$0x45E0] =	vst v24  }
0x13b: {  	v22 =	vsel vm13, v5, v19;
	[tilespmem:s26+$0x44D0] =	vst v23;
	v23 =	vmov s3  }
0x13c: {  	[tilespmem:s26+$0x44E0] =	vst v22;
	v22 =	vsel vm13, v7, v13;
	vm14 =	vlt.s32 v23, v21  }
0x13d: {  	[tilespmem:s26+$0x4500] =	vst v22;
	v23 =	vsel vm14, v12, v15  }
0x13e: {  	v22 =	vsel vm14, v8, v14;
	[tilespmem:s26+$0x4510] =	vst v23  }
0x13f: {  	v23 =	vsel vm14, v9, v16;
	[tilespmem:s26+$0x4520] =	vst v22  }
0x140: {  	v22 =	vsel vm14, v10, v17;
	[tilespmem:s26+$0x4530] =	vst v23  }
0x141: {  	v23 =	vsel vm14, v11, v18;
	[tilespmem:s26+$0x4540] =	vst v22  }
0x142: {  	v22 =	vsel vm14, v5, v19;
	[tilespmem:s26+$0x4550] =	vst v23  }
0x143: {  	v23 =	vsel vm14, v6, v20;
	[tilespmem:s26+$0x4560] =	vst v22  }
0x144: {  	v22 =	vsel vm14, v7, v13;
	[tilespmem:s26+$0x4570] =	vst v23  }
0x145: {  	v23 =	vsel vm12, v12, v15;
	[tilespmem:s26+$0x4580] =	vst v22  }
0x146: {  	v22 =	vsel vm12, v8, v14;
	[tilespmem:s26+$0x4590] =	vst v23  }
0x147: {  	v23 =	vsel vm12, v9, v16;
	[tilespmem:s26+$0x45A0] =	vst v22  }
0x148: {  	v22 =	vsel vm12, v10, v17;
	[tilespmem:s26+$0x45B0] =	vst v23  }
0x149: {  	v23 =	vsel vm12, v11, v18;
	[tilespmem:s26+$0x45C0] =	vst v22;
	v22 =	vmov s14  }
0x14a: {  	[tilespmem:s26+$0x45D0] =	vst v23;
	vm15 =	vlt.s32 v22, v21;
	v22 =	vsel vm12, v6, v20  }
0x14b: {  	v23 =	vsel vm15, v12, v15;
	[tilespmem:s26+$0x45F0] =	vst v22  }
0x14c: {  	v22 =	vsel vm15, v8, v14;
	[tilespmem:s26+$0x4610] =	vst v23  }
0x14d: {  	v26 =	vsel vm15, v11, v18;
	[tilespmem:s26+$0x4620] =	vst v22  }
0x14e: {  	s29 =	sadd.s32 $0x4, s14;
	v23 =	vsel vm15, v9, v16;
	[tilespmem:s26+$0x4650] =	vst v26  }
0x14f: {  	s30 =	simm.s32 $0x1000;
	v24 =	vmov s29;
	v22 =	vsel vm15, v10, v17;
	[tilespmem:s26+$0x4630] =	vst v23  }
0x150: {  	s31 =	sadd.s32 $0xFFFFFFFE, s29;
	s0 =	sadd.s32 $0xFFFFFFFF, s29;
	s28 =	simm.s32 $0x800;
	v25 =	vsel vm15, v5, v19;
	[tilespmem:s26+$0x4640] =	vst v22;
	v23 =	vsel vm15, v6, v20;
	v22 =	vsel vm15, v7, v13  }
.LBB2_8:
0x151: {  	p0 =	sne.s32 s30, $0x7800;
	s3 =	sadd.s32 $0xFFFFFFFD, s29;
	v26 =	vmov s31;
	v27 =	vmov s0;
	vm0 =	vlt.s32 v24, v21;
	[tilespmem:s26+$0x4660] =	vst v25  }
0x152: {  	v24 =	vmov s3;
	vm2 =	vlt.s32 v26, v21;
	vm1 =	vlt.s32 v27, v21;
	[tilespmem:s26+$0x4670] =	vst v23  }
0x153: {  	vm3 =	vlt.s32 v24, v21;
	v23 =	vsel vm2, v12, v15;
	v24 =	vsel vm1, v7, v13;
	[tilespmem:s26+$0x4680] =	vst v22;
	s26 =	sshra.s32 s28, $0x2;
	s28 =	smov.u32 s30  }
0x154: {  	v22 =	vsel vm3, v12, v15;
	v25 =	vsel vm3, v8, v14;
	v26 =	vsel vm3, v9, v16;
	[tilespmem:s26+$0x4600] =	vst v24  }
0x155: {  	v24 =	vsel vm3, v11, v18;
	v27 =	vsel vm3, v5, v19;
	[tilespmem:s26+$0x4490] =	vst v22;
	v22 =	vsel vm3, v10, v17  }
0x156: {  	v29 =	vsel vm2, v8, v14;
	v28 =	vsel vm3, v7, v13;
	[tilespmem:s26+$0x44A0] =	vst v25;
	v25 =	vsel vm3, v6, v20  }
0x157: {  	v30 =	vsel vm2, v10, v17;
	v31 =	vsel vm2, v11, v18;
	[tilespmem:s26+$0x44B0] =	vst v26;
	v26 =	vsel vm2, v9, v16  }
0x158: {  	v32 =	vsel vm2, v5, v19;
	v33 =	vsel vm2, v6, v20;
	v34 =	vsel vm2, v7, v13;
	[tilespmem:s26+$0x44C0] =	vst v22  }
0x159: {  	v35 =	vsel vm1, v8, v14;
	v36 =	vsel vm1, v9, v16;
	[tilespmem:s26+$0x44D0] =	vst v24;
	v24 =	vsel vm1, v12, v15  }
0x15a: {  	v37 =	vsel vm1, v11, v18;
	v38 =	vsel vm1, v5, v19;
	[tilespmem:s26+$0x44E0] =	vst v27;
	v27 =	vsel vm1, v10, v17  }
0x15b: {  	v40 =	vsel vm0, v12, v15;
	v41 =	vsel vm0, v8, v14;
	v39 =	vsel vm1, v6, v20;
	[tilespmem:s26+$0x44F0] =	vst v25  }
0x15c: {  	v42 =	vsel vm0, v10, v17;
	v43 =	vsel vm0, v11, v18;
	[tilespmem:s26+$0x4500] =	vst v28;
	v28 =	vsel vm0, v9, v16  }
0x15d: {  	v22 =	vsel vm0, v7, v13;
	v25 =	vsel vm0, v5, v19;
	[tilespmem:s26+$0x4510] =	vst v23;
	v23 =	vsel vm0, v6, v20  }
0x15e: {  	[tilespmem:s26+$0x4520] =	vst v29  }
0x15f: {  	[tilespmem:s26+$0x4530] =	vst v26  }
0x160: {  	[tilespmem:s26+$0x4540] =	vst v30  }
0x161: {  	[tilespmem:s26+$0x4550] =	vst v31  }
0x162: {  	[tilespmem:s26+$0x4560] =	vst v32  }
0x163: {  	[tilespmem:s26+$0x4570] =	vst v33  }
0x164: {  	[tilespmem:s26+$0x4580] =	vst v34  }
0x165: {  	[tilespmem:s26+$0x4590] =	vst v24  }
0x166: {  	[tilespmem:s26+$0x45A0] =	vst v35  }
0x167: {  	[tilespmem:s26+$0x45B0] =	vst v36  }
0x168: {  	[tilespmem:s26+$0x45C0] =	vst v27  }
0x169: {  	[tilespmem:s26+$0x45D0] =	vst v37  }
0x16a: {  	[tilespmem:s26+$0x45E0] =	vst v38  }
0x16b: {  	[tilespmem:s26+$0x45F0] =	vst v39  }
.Ltmp3:
0x16c: {  	[tilespmem:s26+$0x4610] =	vst v40;
	(pc) =	sbr.rel @p0 .LBB2_8-.Ltmp3, $4  }
0x16d: {  	[tilespmem:s26+$0x4620] =	vst v41  }
0x16e: {  	[tilespmem:s26+$0x4630] =	vst v28  }
0x16f: {  	s29 =	sadd.s32 $0x4, s29;
	[tilespmem:s26+$0x4640] =	vst v42  }
0x170: {  	s31 =	sadd.s32 $0xFFFFFFFE, s29;
	s0 =	sadd.s32 $0xFFFFFFFF, s29;
	s30 =	sadd.s32 $0x800, s30;
	v24 =	vmov s29;
	[tilespmem:s26+$0x4650] =	vst v43  }
0x171: {  	s3 =	sadd.s32 $0xFFFFFFFD, s29;
	v26 =	vmov s0;
	[tilespmem:s26+$0x4660] =	vst v25  }
0x172: {  	[tilespmem:s26+$0x4670] =	vst v23;
	v25 =	vmov s3;
	vm0 =	vlt.s32 v26, v21  }
0x173: {  	s28 =	sshra.s32 s28, $0x2;
	[tilespmem:s26+$0x4680] =	vst v22;
	vm1 =	vlt.s32 v25, v21;
	v23 =	vsel vm0, v7, v13  }
0x174: {  	v22 =	vsel vm1, v12, v15;
	[tilespmem:s28+$0x4600] =	vst v23  }
0x175: {  	v23 =	vsel vm1, v8, v14;
	[tilespmem:s28+$0x4490] =	vst v22  }
0x176: {  	v25 =	vsel vm1, v6, v20;
	[tilespmem:s28+$0x44A0] =	vst v23  }
0x177: {  	v22 =	vsel vm1, v9, v16;
	[tilespmem:s28+$0x44F0] =	vst v25  }
0x178: {  	v23 =	vsel vm1, v10, v17;
	[tilespmem:s28+$0x44B0] =	vst v22  }
0x179: {  	v22 =	vsel vm1, v11, v18;
	[tilespmem:s28+$0x44C0] =	vst v23  }
0x17a: {  	v23 =	vsel vm1, v5, v19;
	[tilespmem:s28+$0x44D0] =	vst v22;
	v22 =	vmov s31  }
0x17b: {  	[tilespmem:s28+$0x44E0] =	vst v23;
	vm2 =	vlt.s32 v22, v21;
	v22 =	vsel vm1, v7, v13  }
0x17c: {  	v23 =	vsel vm2, v12, v15;
	[tilespmem:s28+$0x4500] =	vst v22  }
0x17d: {  	v22 =	vsel vm2, v8, v14;
	[tilespmem:s28+$0x4510] =	vst v23  }
0x17e: {  	v23 =	vsel vm2, v9, v16;
	[tilespmem:s28+$0x4520] =	vst v22  }
0x17f: {  	v22 =	vsel vm2, v10, v17;
	[tilespmem:s28+$0x4530] =	vst v23  }
0x180: {  	v23 =	vsel vm2, v11, v18;
	[tilespmem:s28+$0x4540] =	vst v22  }
0x181: {  	v22 =	vsel vm2, v5, v19;
	[tilespmem:s28+$0x4550] =	vst v23  }
0x182: {  	v23 =	vsel vm2, v6, v20;
	[tilespmem:s28+$0x4560] =	vst v22  }
0x183: {  	v22 =	vsel vm2, v7, v13;
	[tilespmem:s28+$0x4570] =	vst v23  }
0x184: {  	v23 =	vsel vm0, v12, v15;
	[tilespmem:s28+$0x4580] =	vst v22  }
0x185: {  	v22 =	vsel vm0, v8, v14;
	[tilespmem:s28+$0x4590] =	vst v23  }
0x186: {  	v23 =	vsel vm0, v9, v16;
	[tilespmem:s28+$0x45A0] =	vst v22  }
0x187: {  	v22 =	vsel vm0, v10, v17;
	[tilespmem:s28+$0x45B0] =	vst v23  }
0x188: {  	v23 =	vsel vm0, v11, v18;
	[tilespmem:s28+$0x45C0] =	vst v22  }
0x189: {  	v22 =	vsel vm0, v5, v19;
	[tilespmem:s28+$0x45D0] =	vst v23  }
0x18a: {  	vm11 =	vlt.s32 v24, v21;
	v23 =	vsel vm0, v6, v20;
	[tilespmem:s28+$0x45E0] =	vst v22  }
0x18b: {  	v22 =	vsel vm11, v12, v15;
	[tilespmem:s28+$0x45F0] =	vst v23  }
0x18c: {  	v23 =	vsel vm11, v8, v14;
	[tilespmem:s28+$0x4610] =	vst v22  }
0x18d: {  	v22 =	vsel vm11, v9, v16;
	[tilespmem:s28+$0x4620] =	vst v23  }
0x18e: {  	v23 =	vsel vm11, v10, v17;
	[tilespmem:s28+$0x4630] =	vst v22  }
0x18f: {  	v22 =	vsel vm11, v11, v18;
	[tilespmem:s28+$0x4640] =	vst v23  }
0x190: {  	v23 =	vsel vm11, v5, v19;
	[tilespmem:s28+$0x4650] =	vst v22  }
0x191: {  	s0 =	sadd.s32 $0xFFFFFFFF, s15;
	v22 =	vsel vm11, v6, v20;
	[tilespmem:s28+$0x4660] =	vst v23  }
0x192: {  	s26 =	sadd.s32 $0xFFFFFFFD, s15;
	v23 =	vsel vm11, v7, v13;
	[tilespmem:s28+$0x4670] =	vst v22;
	v22 =	vmov s0  }
0x193: {  	s3 =	simm.s32 $0x0;
	[tilespmem:s28+$0x4680] =	vst v23;
	v23 =	vmov s26;
	vm12 =	vlt.s32 v22, v21;
	s26 =	simm.s32 $0x0  }
0x194: {  	[hbm4b:s11+s3] =	stream.linear.scatter [tilespmem:s23], [sflag:$0x1], $0x2000, $0x38;
	vm13 =	vlt.s32 v23, v21;
	v22 =	vsel vm12, v7, v13;
	[tilespmem:$0x8490] =	vst v63  }
0x195: {  	v23 =	vsel vm13, v12, v15;
	[tilespmem:s26+$0x6600] =	vst v22  }
0x196: {  	v22 =	vsel vm13, v8, v14;
	[tilespmem:s26+$0x6490] =	vst v23  }
0x197: {  	v24 =	vsel vm13, v6, v20;
	[tilespmem:s26+$0x64A0] =	vst v22  }
0x198: {  	v23 =	vsel vm13, v9, v16;
	[tilespmem:s26+$0x64F0] =	vst v24  }
0x199: {  	v22 =	vsel vm13, v10, v17;
	[tilespmem:s26+$0x64B0] =	vst v23  }
0x19a: {  	v24 =	vsel vm12, v5, v19;
	[tilespmem:s26+$0x64C0] =	vst v22  }
0x19b: {  	s3 =	sadd.s32 $0xFFFFFFFE, s15;
	v23 =	vsel vm13, v11, v18;
	[tilespmem:s26+$0x65E0] =	vst v24  }
0x19c: {  	v22 =	vsel vm13, v5, v19;
	[tilespmem:s26+$0x64D0] =	vst v23;
	v23 =	vmov s3  }
0x19d: {  	[tilespmem:s26+$0x64E0] =	vst v22;
	v22 =	vsel vm13, v7, v13;
	vm14 =	vlt.s32 v23, v21  }
0x19e: {  	[tilespmem:s26+$0x6500] =	vst v22;
	v23 =	vsel vm14, v12, v15  }
0x19f: {  	v22 =	vsel vm14, v8, v14;
	[tilespmem:s26+$0x6510] =	vst v23  }
0x1a0: {  	v23 =	vsel vm14, v9, v16;
	[tilespmem:s26+$0x6520] =	vst v22  }
0x1a1: {  	v22 =	vsel vm14, v10, v17;
	[tilespmem:s26+$0x6530] =	vst v23  }
0x1a2: {  	v23 =	vsel vm14, v11, v18;
	[tilespmem:s26+$0x6540] =	vst v22  }
0x1a3: {  	v22 =	vsel vm14, v5, v19;
	[tilespmem:s26+$0x6550] =	vst v23  }
0x1a4: {  	v23 =	vsel vm14, v6, v20;
	[tilespmem:s26+$0x6560] =	vst v22  }
0x1a5: {  	v22 =	vsel vm14, v7, v13;
	[tilespmem:s26+$0x6570] =	vst v23  }
0x1a6: {  	v23 =	vsel vm12, v12, v15;
	[tilespmem:s26+$0x6580] =	vst v22  }
0x1a7: {  	v22 =	vsel vm12, v8, v14;
	[tilespmem:s26+$0x6590] =	vst v23  }
0x1a8: {  	v23 =	vsel vm12, v9, v16;
	[tilespmem:s26+$0x65A0] =	vst v22  }
0x1a9: {  	v22 =	vsel vm12, v10, v17;
	[tilespmem:s26+$0x65B0] =	vst v23  }
0x1aa: {  	v23 =	vsel vm12, v11, v18;
	[tilespmem:s26+$0x65C0] =	vst v22;
	v22 =	vmov s15  }
0x1ab: {  	[tilespmem:s26+$0x65D0] =	vst v23;
	vm15 =	vlt.s32 v22, v21;
	v22 =	vsel vm12, v6, v20  }
0x1ac: {  	v23 =	vsel vm15, v12, v15;
	[tilespmem:s26+$0x65F0] =	vst v22  }
0x1ad: {  	v22 =	vsel vm15, v8, v14;
	[tilespmem:s26+$0x6610] =	vst v23  }
0x1ae: {  	v26 =	vsel vm15, v11, v18;
	[tilespmem:s26+$0x6620] =	vst v22  }
0x1af: {  	s29 =	sadd.s32 $0x4, s15;
	v23 =	vsel vm15, v9, v16;
	[tilespmem:s26+$0x6650] =	vst v26  }
0x1b0: {  	s30 =	simm.s32 $0x1000;
	v24 =	vmov s29;
	v22 =	vsel vm15, v10, v17;
	[tilespmem:s26+$0x6630] =	vst v23  }
0x1b1: {  	s31 =	sadd.s32 $0xFFFFFFFE, s29;
	s0 =	sadd.s32 $0xFFFFFFFF, s29;
	s28 =	simm.s32 $0x800;
	v25 =	vsel vm15, v5, v19;
	[tilespmem:s26+$0x6640] =	vst v22;
	v23 =	vsel vm15, v6, v20;
	v22 =	vsel vm15, v7, v13  }
.LBB2_10:
0x1b2: {  	p0 =	sne.s32 s30, $0x7800;
	s3 =	sadd.s32 $0xFFFFFFFD, s29;
	v26 =	vmov s31;
	v27 =	vmov s0;
	vm0 =	vlt.s32 v24, v21;
	[tilespmem:s26+$0x6660] =	vst v25  }
0x1b3: {  	v24 =	vmov s3;
	vm2 =	vlt.s32 v26, v21;
	vm1 =	vlt.s32 v27, v21;
	[tilespmem:s26+$0x6670] =	vst v23  }
0x1b4: {  	vm3 =	vlt.s32 v24, v21;
	v23 =	vsel vm2, v12, v15;
	v24 =	vsel vm1, v7, v13;
	[tilespmem:s26+$0x6680] =	vst v22;
	s26 =	sshra.s32 s28, $0x2;
	s28 =	smov.u32 s30  }
0x1b5: {  	v22 =	vsel vm3, v12, v15;
	v25 =	vsel vm3, v8, v14;
	v26 =	vsel vm3, v9, v16;
	[tilespmem:s26+$0x6600] =	vst v24  }
0x1b6: {  	v24 =	vsel vm3, v11, v18;
	v27 =	vsel vm3, v5, v19;
	[tilespmem:s26+$0x6490] =	vst v22;
	v22 =	vsel vm3, v10, v17  }
0x1b7: {  	v29 =	vsel vm2, v8, v14;
	v28 =	vsel vm3, v7, v13;
	[tilespmem:s26+$0x64A0] =	vst v25;
	v25 =	vsel vm3, v6, v20  }
0x1b8: {  	v30 =	vsel vm2, v10, v17;
	v31 =	vsel vm2, v11, v18;
	[tilespmem:s26+$0x64B0] =	vst v26;
	v26 =	vsel vm2, v9, v16  }
0x1b9: {  	v32 =	vsel vm2, v5, v19;
	v33 =	vsel vm2, v6, v20;
	v34 =	vsel vm2, v7, v13;
	[tilespmem:s26+$0x64C0] =	vst v22  }
0x1ba: {  	v35 =	vsel vm1, v8, v14;
	v36 =	vsel vm1, v9, v16;
	[tilespmem:s26+$0x64D0] =	vst v24;
	v24 =	vsel vm1, v12, v15  }
0x1bb: {  	v37 =	vsel vm1, v11, v18;
	v38 =	vsel vm1, v5, v19;
	[tilespmem:s26+$0x64E0] =	vst v27;
	v27 =	vsel vm1, v10, v17  }
0x1bc: {  	v40 =	vsel vm0, v12, v15;
	v41 =	vsel vm0, v8, v14;
	v39 =	vsel vm1, v6, v20;
	[tilespmem:s26+$0x64F0] =	vst v25  }
0x1bd: {  	v42 =	vsel vm0, v10, v17;
	v43 =	vsel vm0, v11, v18;
	[tilespmem:s26+$0x6500] =	vst v28;
	v28 =	vsel vm0, v9, v16  }
0x1be: {  	v22 =	vsel vm0, v7, v13;
	v25 =	vsel vm0, v5, v19;
	[tilespmem:s26+$0x6510] =	vst v23;
	v23 =	vsel vm0, v6, v20  }
0x1bf: {  	[tilespmem:s26+$0x6520] =	vst v29  }
0x1c0: {  	[tilespmem:s26+$0x6530] =	vst v26  }
0x1c1: {  	[tilespmem:s26+$0x6540] =	vst v30  }
0x1c2: {  	[tilespmem:s26+$0x6550] =	vst v31  }
0x1c3: {  	[tilespmem:s26+$0x6560] =	vst v32  }
0x1c4: {  	[tilespmem:s26+$0x6570] =	vst v33  }
0x1c5: {  	[tilespmem:s26+$0x6580] =	vst v34  }
0x1c6: {  	[tilespmem:s26+$0x6590] =	vst v24  }
0x1c7: {  	[tilespmem:s26+$0x65A0] =	vst v35  }
0x1c8: {  	[tilespmem:s26+$0x65B0] =	vst v36  }
0x1c9: {  	[tilespmem:s26+$0x65C0] =	vst v27  }
0x1ca: {  	[tilespmem:s26+$0x65D0] =	vst v37  }
0x1cb: {  	[tilespmem:s26+$0x65E0] =	vst v38  }
0x1cc: {  	[tilespmem:s26+$0x65F0] =	vst v39  }
.Ltmp4:
0x1cd: {  	[tilespmem:s26+$0x6610] =	vst v40;
	(pc) =	sbr.rel @p0 .LBB2_10-.Ltmp4, $4  }
0x1ce: {  	[tilespmem:s26+$0x6620] =	vst v41  }
0x1cf: {  	[tilespmem:s26+$0x6630] =	vst v28  }
0x1d0: {  	s29 =	sadd.s32 $0x4, s29;
	[tilespmem:s26+$0x6640] =	vst v42  }
0x1d1: {  	s31 =	sadd.s32 $0xFFFFFFFE, s29;
	s0 =	sadd.s32 $0xFFFFFFFF, s29;
	s30 =	sadd.s32 $0x800, s30;
	v24 =	vmov s29;
	[tilespmem:s26+$0x6650] =	vst v43  }
0x1d2: {  	[tilespmem:s26+$0x6660] =	vst v25  }
0x1d3: {  	[tilespmem:s26+$0x6670] =	vst v23;
	vm15 =	vlt.s32 v24, v21  }
0x1d4: {  	s28 =	sshra.s32 s28, $0x2;
	[tilespmem:s26+$0x6680] =	vst v22;
	v59 =	vsel vm15, v12, v15  }
0x1d5: {  	v60 =	vsel vm15, v8, v14;
	[tilespmem:s28+$0x6610] =	vst v59  }
0x1d6: {  	v61 =	vsel vm15, v9, v16;
	[tilespmem:s28+$0x6620] =	vst v60  }
0x1d7: {  	v26 =	vmov s0;
	v62 =	vsel vm15, v10, v17;
	[tilespmem:s28+$0x6630] =	vst v61  }
0x1d8: {  	v42 =	vmov s31;
	vm0 =	vlt.s32 v26, v21;
	v63 =	vsel vm15, v11, v18;
	[tilespmem:s28+$0x6640] =	vst v62  }
0x1d9: {  	vm2 =	vlt.s32 v42, v21;
	v35 =	vsel vm0, v7, v13;
	[tilespmem:s28+$0x6650] =	vst v63  }
0x1da: {  	v44 =	vsel vm2, v12, v15;
	[tilespmem:s28+$0x6600] =	vst v35  }
0x1db: {  	v45 =	vsel vm2, v8, v14;
	[tilespmem:s28+$0x6510] =	vst v44  }
0x1dc: {  	v46 =	vsel vm2, v9, v16;
	[tilespmem:s28+$0x6520] =	vst v45  }
0x1dd: {  	v47 =	vsel vm2, v10, v17;
	[tilespmem:s28+$0x6530] =	vst v46  }
0x1de: {  	v48 =	vsel vm2, v11, v18;
	[tilespmem:s28+$0x6540] =	vst v47  }
0x1df: {  	v49 =	vsel vm2, v5, v19;
	[tilespmem:s28+$0x6550] =	vst v48  }
0x1e0: {  	v50 =	vsel vm2, v6, v20;
	[tilespmem:s28+$0x6560] =	vst v49  }
0x1e1: {  	v51 =	vsel vm2, v7, v13;
	[tilespmem:s28+$0x6570] =	vst v50  }
0x1e2: {  	v52 =	vsel vm0, v12, v15;
	[tilespmem:s28+$0x6580] =	vst v51  }
0x1e3: {  	v53 =	vsel vm0, v8, v14;
	[tilespmem:s28+$0x6590] =	vst v52  }
0x1e4: {  	v54 =	vsel vm0, v9, v16;
	[tilespmem:s28+$0x65A0] =	vst v53  }
0x1e5: {  	v55 =	vsel vm0, v10, v17;
	[tilespmem:s28+$0x65B0] =	vst v54  }
0x1e6: {  	s3 =	sadd.s32 $0xFFFFFFFD, s29;
	v56 =	vsel vm0, v11, v18;
	[tilespmem:s28+$0x65C0] =	vst v55  }
0x1e7: {  	v34 =	vmov s3;
	v57 =	vsel vm0, v5, v19;
	[tilespmem:s28+$0x65D0] =	vst v56  }
0x1e8: {  	vm1 =	vlt.s32 v34, v21;
	v58 =	vsel vm0, v6, v20;
	[tilespmem:s28+$0x65E0] =	vst v57  }
0x1e9: {  	v36 =	vsel vm1, v12, v15;
	[tilespmem:s28+$0x65F0] =	vst v58  }
0x1ea: {  	v37 =	vsel vm1, v8, v14;
	[tilespmem:s28+$0x6490] =	vst v36  }
0x1eb: {  	v38 =	vsel vm1, v9, v16;
	[tilespmem:s28+$0x64A0] =	vst v37  }
0x1ec: {  	v39 =	vsel vm1, v10, v17;
	[tilespmem:s28+$0x64B0] =	vst v38  }
0x1ed: {  	v40 =	vsel vm1, v11, v18;
	[tilespmem:s28+$0x64C0] =	vst v39  }
0x1ee: {  	v41 =	vsel vm1, v5, v19;
	[tilespmem:s28+$0x64D0] =	vst v40  }
0x1ef: {  	v25 =	vsel vm1, v6, v20;
	[tilespmem:s28+$0x64E0] =	vst v41  }
0x1f0: {  	v43 =	vsel vm1, v7, v13;
	[tilespmem:s28+$0x64F0] =	vst v25  }
0x1f1: {  	v5 =	vsel vm15, v5, v19;
	[tilespmem:s28+$0x6500] =	vst v43  }
0x1f2: {  	v6 =	vsel vm15, v6, v20;
	[tilespmem:s28+$0x6660] =	vst v5  }
0x1f3: {  	v5 =	vsel vm15, v7, v13;
	[tilespmem:s28+$0x6670] =	vst v6  }
0x1f4: {  	[tilespmem:s28+$0x6680] =	vst v5  }
0x1f5: {  	[hbm4b:s12+s4] =	stream.linear.scatter [tilespmem:s24], [sflag:$0x1], $0x2000, $0x38;
	[tilespmem:$0x8490] =	vst v63  }
0x1f6: {  	_ =	swait.ge [sflag:s20], $0x2000  }
0x1f7: {  	[sflag:s20] =	ssyncset.done $0x0  }
0x1f8: {  	[sflag:s20] =	ssyncadd.s32 $0xFFFFE000  }
0x1f9: {  	_ =	swait.ge [sflag:s20], $0x2000  }
0x1fa: {  	[sflag:s20] =	ssyncset.done $0x0  }
0x1fb: {  	s25 =	sadd.s32 $0x1, s25;
	[sflag:s20] =	ssyncadd.s32 $0xFFFFE000  }
0x1fc: {  	p0 =	sne.s32 s25, s13;
	_ =	swait.ge [sflag:s20], $0x2000  }
.Ltmp5:
0x1fd: {  	[sflag:s20] =	ssyncset.done $0x0;
	(pc) =	sbr.rel @p0 .LBB2_1-.Ltmp5, $4  }
0x1fe: {  	[sflag:s20] =	ssyncadd.s32 $0xFFFFE000  }
0x1ff: {  	_ =	swait.ge [sflag:s20], $0x2000  }
0x200: {  	[sflag:s20] =	ssyncset.done $0x0  }
0x201: {  	[sflag:s20] =	ssyncadd.s32 $0xFFFFE000  }
0x202: {  	_ =	sfence.sel $0x180000  }
0x203: {  	[bflag:$0x0] =	sbarrier.arrive $0xFFFF  }
0x204: {  	_ =	strace $0x90000047  }
0x205: {  	s0 =	stileid.u32;
	[bflag:$0x2] =	sbarrier.arrive $0xFFFF  }
0x206: {  	p0 =	sne.s32 s0, $0x0;
	s0 =	rddreg [dreg:$0x4]  }
0x207: {  	s0 =	sadd.s32 @!p0 $0x100000, s0  }
0x208: {  	[sflag:s0] =	ssyncadd.tile.s32 @!p0 $0x1;
	_ =	shalt  }
.Lfunc_end2:
_tile_overlayer_lowered:
.L_overlay_start_2:
0x209: {  	(tag) =	ssettag $0x2  }
0x20a: {  	s0 =	rddreg [dreg:$0x0];
	s2 =	stileid.u32  }
0x20b: {  	s1 =	rddreg [dreg:$0x1];
	p0 =	sne.s32 s2, $0x0  }
0x20c: {  	s3 =	rddreg [dreg:$0x2];
	[bflag:$0x3] =	sbarrier.arrive $0xFFFF;
	s2 =	simm.s32 @!p0 $0x1C02  }
0x20d: {  	[timem:s3], [sflag:s2] =	dma.local @!p0 [hbm:s0], s1  }
0x20e: {  	s0 =	simm.s32 @!p0 $0x2  }
0x20f: {  	_ =	swait.ge @!p0 [sflag:s0], s1  }
0x210: {  	s1 =	ssub.s32 @!p0 $0x0, s1;
	[sflag:s0] =	ssyncset.done @!p0 $0x0  }
0x211: {  	[sflag:s0] =	ssyncadd.s32 @!p0 s1  }
0x212: {  	[bflag:$0x3] =	sbarrier.arrive $0xFFFF  }
0x213: {  	_ =	shalt  }

</sc_bundles>
